<compile_context>
chip_gen: v7x
topology: tpu7x:2x2x1
jax: 0.10.2.dev20260603
libtpu: 0.0.44.dev20260713+nightly
codegen_flags: <defaults>
</compile_context>

<pallas_src>
import functools

import jax
import jax.numpy as jnp
from jax import lax
from jax.experimental import pallas as pl
from jax.experimental.pallas import tpu as pltpu
from jax.experimental.pallas import tpu_sc as plsc

_F32 = jnp.float32



def _matmul_bias_relu_kernel(w_ref, p_ref, b_ref, o_ref):
    y = lax.dot_general(w_ref[...].astype(jnp.bfloat16),
                        p_ref[...].astype(jnp.bfloat16),
                        (((1,), (0,)), ((), ())),
                        preferred_element_type=_F32)
    o_ref[...] = jnp.maximum(y + b_ref[...], 0.0)


def _conv_matmul(w2d, p2d, bias, n_block):
    M, K = w2d.shape
    N = p2d.shape[1]
    grid = (N // n_block,)
    return pl.pallas_call(
        _matmul_bias_relu_kernel,
        grid=grid,
        in_specs=[
            pl.BlockSpec((M, K), lambda i: (0, 0)),
            pl.BlockSpec((K, n_block), lambda i: (0, i)),
            pl.BlockSpec((M, 1), lambda i: (0, 0)),
        ],
        out_specs=pl.BlockSpec((M, n_block), lambda i: (0, i)),
        out_shape=jax.ShapeDtypeStruct((M, N), _F32),
    )(w2d, p2d, bias)


def _pool_norm_kernel(a_ref, o_ref):
    a = a_ref[...]
    m = jnp.maximum(jnp.maximum(a[0], a[1]), jnp.maximum(a[2], a[3]))
    norm = jnp.sqrt(jnp.sum(m * m, axis=-1, keepdims=True))
    o_ref[...] = m / jnp.maximum(norm, 1e-12)


def _pool_norm(a4):
    _, B, C, F = a4.shape
    return pl.pallas_call(
        _pool_norm_kernel,
        out_shape=jax.ShapeDtypeStruct((B, C, F), _F32),
    )(a4)


def _score_argmin_kernel(cb, xn_ref, c_ref, o_ref):
    i = pl.program_id(0)
    xb = xn_ref[...]
    cblk = c_ref[...]
    B = xb.shape[0]
    K = cblk.shape[1]
    cols = []
    for j in range(cb):
        cj = cblk[j]
        cn = jnp.sum(cj * cj, axis=1).reshape(1, K)
        d = lax.dot_general(xb[:, j, :], cj, (((1,), (1,)), ((), ())),
                            preferred_element_type=_F32,
                        precision=lax.Precision.HIGHEST)
        s = cn - 2.0 * d
        m = jnp.min(s, axis=1, keepdims=True)
        iota = lax.broadcasted_iota(jnp.int32, (B, K), 1)
        idx = jnp.min(jnp.where(s == m, iota, K), axis=1, keepdims=True)
        cols.append(idx + (i * cb + j) * K)
    o_ref[...] = jnp.concatenate(cols, axis=1)[None]


def _score_argmin(xn, centers, cb):
    B, C, F = xn.shape
    K = centers.shape[1]
    grid = (C // cb,)
    out3 = pl.pallas_call(
        functools.partial(_score_argmin_kernel, cb),
        grid=grid,
        in_specs=[
            pl.BlockSpec((B, cb, F), lambda i: (0, i, 0)),
            pl.BlockSpec((cb, K, F), lambda i: (i, 0, 0)),
        ],
        out_specs=pl.BlockSpec((1, B, cb), lambda i: (i, 0, 0)),
        out_shape=jax.ShapeDtypeStruct((C // cb, B, cb), jnp.int32),
    )(xn, centers)
    return out3.transpose(1, 0, 2).reshape(B, C)


def _half_select_kernel(w_ref, s_ref, o_ref):
    w = w_ref[...]
    s = s_ref[...][:, :, None]
    o_ref[...] = jnp.where(s == 0, w[:, :, :64], w[:, :, 64:])


def _half_select(wide, parity):
    B, C, _ = wide.shape
    return pl.pallas_call(
        _half_select_kernel,
        out_shape=jax.ShapeDtypeStruct((B, C, 64), _F32),
    )(wide, parity)


def _fc_kernel(x_ref, w1_ref, b1_ref, w2_ref, b2_ref, o_ref):
    i = pl.program_id(0)
    a = lax.dot_general(x_ref[...].astype(jnp.bfloat16),
                        w1_ref[...].astype(jnp.bfloat16),
                        (((1,), (1,)), ((), ())),
                        preferred_element_type=_F32)
    a = jnp.maximum(a + b1_ref[...], 0.0)
    p = lax.dot_general(a.astype(jnp.bfloat16),
                        w2_ref[...].astype(jnp.bfloat16),
                        (((1,), (1,)), ((), ())),
                        preferred_element_type=_F32)

    @pl.when(i == 0)
    def _():
        o_ref[...] = p + b2_ref[...]

    @pl.when(i != 0)
    def _():
        o_ref[...] = o_ref[...] + p


def _fc_head(x, w1, b1, w2, b2, nb):
    B, K = x.shape
    N = w1.shape[0]
    O = w2.shape[0]
    grid = (N // nb,)
    return pl.pallas_call(
        _fc_kernel,
        grid=grid,
        in_specs=[
            pl.BlockSpec((B, K), lambda i: (0, 0)),
            pl.BlockSpec((nb, K), lambda i: (i, 0)),
            pl.BlockSpec((1, nb), lambda i: (0, i)),
            pl.BlockSpec((O, nb), lambda i: (0, i)),
            pl.BlockSpec((1, O), lambda i: (0, 0)),
        ],
        out_specs=pl.BlockSpec((B, O), lambda i: (0, 0)),
        out_shape=jax.ShapeDtypeStruct((B, O), _F32),
    )(x, w1, b1.reshape(1, N), w2, b2.reshape(1, O))



_SC_NC = 2
_SC_NS = 16


def _sc_gather(table, idx):
    V, D = table.shape
    B = idx.shape[0]
    nw = _SC_NC * _SC_NS
    b_per_w = B // nw
    mesh = plsc.VectorSubcoreMesh(core_axis_name="c", subcore_axis_name="s")

    @functools.partial(
        pl.kernel,
        out_type=jax.ShapeDtypeStruct((B, D), _F32),
        mesh=mesh,
        scratch_types=[
            pltpu.VMEM((b_per_w,), jnp.int32),
            pltpu.VMEM((b_per_w, D), _F32),
            pltpu.SemaphoreType.DMA,
        ],
    )
    def k(table_hbm, idx_hbm, out_hbm, idx_v, rows_v, sem):
        wid = lax.axis_index("s") * _SC_NC + lax.axis_index("c")
        base = wid * b_per_w
        pltpu.sync_copy(idx_hbm.at[pl.ds(base, b_per_w)], idx_v)
        pltpu.async_copy(table_hbm.at[idx_v], rows_v, sem).wait()
        pltpu.sync_copy(rows_v, out_hbm.at[pl.ds(base, b_per_w)])

    return k(table, idx)




def _im2col(x, ksize, pad):
    B, C, H, W = x.shape
    xp = jnp.pad(x, ((0, 0), (0, 0), (pad, pad), (pad, pad)))
    taps = [xp[:, :, dy:dy + H, dx:dx + W]
            for dy in range(ksize) for dx in range(ksize)]
    s = jnp.stack(taps)
    s = s.transpose(2, 0, 1, 3, 4)
    return s.reshape(C * ksize * ksize, B * H * W)


def _pool_taps(y, C, B, H):
    Hp = H // 2
    a = y.reshape(C, B, Hp, 2, Hp, 2).transpose(3, 5, 1, 0, 2, 4)
    return a.reshape(4, B, C, Hp * Hp)




def kernel(x, conv1_w, conv1_b, conv2_w, conv2_b, fc1_w, fc1_b, fc2_w,
           fc2_b, center0, center1):
    B = x.shape[0]

    p0 = _im2col(x, 5, 2)
    p0 = jnp.pad(p0, ((0, 5), (0, 0)))
    w1 = jnp.pad(conv1_w.reshape(96, 75), ((0, 0), (0, 5)))
    y1 = _conv_matmul(w1, p0, conv1_b.reshape(96, 1), 2048)

    xn0 = _pool_norm(_pool_taps(y1, 96, B, 32))

    idx0 = _score_argmin(xn0, center0, 8)
    q0 = _sc_gather(center0.reshape(96 * 512, 256), idx0.reshape(-1))
    h0 = q0.reshape(B, 96, 16, 16)

    p1 = _im2col(h0, 5, 2)
    w2 = conv2_w.reshape(192, 2400)
    y2 = _conv_matmul(w2, p1, conv2_b.reshape(192, 1), 512)

    xn1 = _pool_norm(_pool_taps(y2, 192, B, 16))

    idx1 = _score_argmin(xn1, center1, 16)
    wide = _sc_gather(center1.reshape(192 * 512 // 2, 128),
                      (idx1 >> 1).reshape(-1))
    q1 = _half_select(wide.reshape(B, 192, 128), idx1 & 1)

    h1 = q1.reshape(B, 192 * 64)
    return _fc_head(h1, fc1_w, fc1_b, fc2_w, fc2_b, 256)

# --- scband reference (transcript-rebuilt; emitter-appended) ---
"""Pipeline reference for scband-qknet-3143916060954 (READ-ONLY COPY).

The authoritative reference and input builder live on the scoring server;
editing this copy changes nothing except your own understanding.
"""

import jax, jax.numpy as jnp
import numpy as np

def _conv2d(x, w, b):
    y = jax.lax.conv_general_dilated(x, w, (1, 1), ((2, 2), (2, 2)), dimension_numbers=('NCHW', 'OIHW', 'NCHW'))
    return y + b[None, :, None, None]

def _maxpool2(x):
    return jax.lax.reduce_window(x, -jnp.inf, jax.lax.max, (1, 1, 2, 2), (1, 1, 2, 2), 'VALID')

def _knn(x, center):
    B, C, H, W = x.shape
    xf = x.reshape(B, C, H * W)
    norm = jnp.sqrt(jnp.sum(xf * xf, axis=2, keepdims=True))
    xn = xf / jnp.maximum(norm, 1e-12)
    dist = jnp.sum((xn[:, :, None, :] - center[None, :, :, :]) ** 2, axis=-1)
    idx = jnp.argmin(dist, axis=-1)
    q = center[jnp.arange(C)[None, :], idx]
    out = xn + jax.lax.stop_gradient(q - xn)
    return out.reshape(B, C, H, W)

def setup_inputs(seed: int = 0):
    key = jax.random.key(seed)
    ks = jax.random.split(key, 8)
    B = 8
    x = jax.random.normal(ks[0], (B, 3, 32, 32), dtype=jnp.float32)
    conv1_w = jax.random.normal(ks[1], (96, 3, 5, 5), dtype=jnp.float32) * 0.05
    conv1_b = jnp.zeros((96,), dtype=jnp.float32)
    conv2_w = jax.random.normal(ks[2], (192, 96, 5, 5), dtype=jnp.float32) * 0.02
    conv2_b = jnp.zeros((192,), dtype=jnp.float32)
    fc1_w = jax.random.normal(ks[3], (2048, 12288), dtype=jnp.float32) * 0.01
    fc1_b = jnp.zeros((2048,), dtype=jnp.float32)
    fc2_w = jax.random.normal(ks[4], (10, 2048), dtype=jnp.float32) * 0.02
    fc2_b = jnp.zeros((10,), dtype=jnp.float32)
    center0 = jax.random.normal(ks[5], (96, 512, 256), dtype=jnp.float32)
    center1 = jax.random.normal(ks[6], (192, 512, 64), dtype=jnp.float32)
    return {"x": x, "conv1_w": conv1_w, "conv1_b": conv1_b, "conv2_w": conv2_w, "conv2_b": conv2_b, "fc1_w": fc1_w, "fc1_b": fc1_b, "fc2_w": fc2_w, "fc2_b": fc2_b, "center0": center0, "center1": center1}

def reference(x, conv1_w, conv1_b, conv2_w, conv2_b, fc1_w, fc1_b, fc2_w, fc2_b, center0, center1):
    h = jax.nn.relu(_conv2d(x, conv1_w, conv1_b))
    h = _maxpool2(h)
    h = _knn(h, center0)
    h = jax.nn.relu(_conv2d(h, conv2_w, conv2_b))
    h = _maxpool2(h)
    h = _knn(h, center1)
    h = h.reshape(h.shape[0], -1)
    h = jax.nn.relu(h @ fc1_w.T + fc1_b)
    return h @ fc2_w.T + fc2_b

if __name__ == "__main__":
    import jax
    _d = setup_inputs()
    print(jax.jit(kernel)(*tuple(_d.values())))

</pallas_src>

<mosaic_0001>
#map = affine_map<(d0, d1) -> (0, 0)>
#map1 = affine_map<(d0, d1) -> (0)>
module attributes {stable_mosaic.version = 14 : i64} {
  func.func @k(%arg0: i32, %arg1: i32, %arg2: memref<49152x128xf32, #tpu.memory_space<hbm>>, %arg3: memref<1536xi32, #tpu.memory_space<hbm>>, %arg4: memref<1536x128xf32, #tpu.memory_space<hbm>>, %arg5: memref<48xi32, #tpu.memory_space<vmem>>, %arg6: memref<48x128xf32, #tpu.memory_space<vmem>>, %arg7: memref<!tpu.dma_semaphore, #tpu.memory_space<semaphore_mem>>) attributes {dimension_semantics = [#tpu.dimension_semantics<core_parallel>, #tpu.dimension_semantics<subcore_parallel>], iteration_bounds = array<i64: 2, 16>, scalar_prefetch = 0 : i64, scratch_operands = 3 : i64, tpu.core_type = #tpu.core_type<sc_vector_subcore>, window_params = [{transform_indices = #map}, {transform_indices = #map1}, {transform_indices = #map}]} {
    %mul3A = arith.constant 2 : i32
    %mul3A_0 = arith.muli %arg1, %mul3A : i32
    %add3A = arith.addi %mul3A_0, %arg0 : i32
    %mul3A_1 = arith.constant 48 : i32
    %mul3A_2 = arith.muli %add3A, %mul3A_1 : i32
    "tpu.region"() ({
      %run_scoped3A = tpu.sem_alloc : memref<!tpu.dma_semaphore, #tpu.memory_space<semaphore_mem>>
      %dma_start3A_7 = tpu.memref_slice %arg3[%mul3A_2] : memref<1536xi32, #tpu.memory_space<hbm>> -> memref<48xi32, #tpu.memory_space<hbm>>
      %dma_start3A_8 = tpu.memref_slice %arg3[%mul3A_2] : memref<1536xi32, #tpu.memory_space<hbm>> -> memref<48xi32, #tpu.memory_space<hbm>>
      tpu.enqueue_dma source(%dma_start3A_8 : memref<48xi32, #tpu.memory_space<hbm>>) target(%arg5 : memref<48xi32, #tpu.memory_space<vmem>>) target_semaphore(%run_scoped3A : memref<!tpu.dma_semaphore, #tpu.memory_space<semaphore_mem>>)
      %dma_wait3A_9 = tpu.memref_slice %arg3[%mul3A_2] : memref<1536xi32, #tpu.memory_space<hbm>> -> memref<48xi32, #tpu.memory_space<hbm>>
      %dma_wait3A_10 = tpu.memref_slice %arg3[%mul3A_2] : memref<1536xi32, #tpu.memory_space<hbm>> -> memref<48xi32, #tpu.memory_space<hbm>>
      tpu.wait_dma2 semaphore(%run_scoped3A : memref<!tpu.dma_semaphore, #tpu.memory_space<semaphore_mem>>) src(%dma_wait3A_10 : memref<48xi32, #tpu.memory_space<hbm>>) dst(%arg5 : memref<48xi32, #tpu.memory_space<vmem>>)
      tpu.yield
    }) : () -> ()
    %dma_start3A = arith.constant 0 : i32
    %dma_start3A_3 = arith.constant 0 : i32
    %dma_start3A_4 = tpu.memref_slice %arg2[%dma_start3A, %dma_start3A_3] : memref<49152x128xf32, #tpu.memory_space<hbm>> -> memref<49152x128xf32, #tpu.memory_space<hbm>>
    tpu.enqueue_indirect_dma source(%dma_start3A_4 : memref<49152x128xf32, #tpu.memory_space<hbm>>) target(%arg6 : memref<48x128xf32, #tpu.memory_space<vmem>>) offsets(%arg5 : memref<48xi32, #tpu.memory_space<vmem>>) semaphore(%arg7 : memref<!tpu.dma_semaphore, #tpu.memory_space<semaphore_mem>>)
    %dma_wait3A = arith.constant 0 : i32
    %dma_wait3A_5 = arith.constant 0 : i32
    %dma_wait3A_6 = tpu.memref_slice %arg2[%dma_wait3A, %dma_wait3A_5] : memref<49152x128xf32, #tpu.memory_space<hbm>> -> memref<49152x128xf32, #tpu.memory_space<hbm>>
    tpu.wait_indirect_dma semaphore(%arg7 : memref<!tpu.dma_semaphore, #tpu.memory_space<semaphore_mem>>) src(%dma_wait3A_6 : memref<49152x128xf32, #tpu.memory_space<hbm>>) dst(%arg6 : memref<48x128xf32, #tpu.memory_space<vmem>>)
    "tpu.region"() ({
      %run_scoped3A = tpu.sem_alloc : memref<!tpu.dma_semaphore, #tpu.memory_space<semaphore_mem>>
      %dma_start3A_7 = arith.constant 0 : i32
      %dma_start3A_8 = tpu.memref_slice %arg4[%mul3A_2, %dma_start3A_7] : memref<1536x128xf32, #tpu.memory_space<hbm>> -> memref<48x128xf32, #tpu.memory_space<hbm>>
      %dma_start3A_9 = arith.constant 0 : i32
      %dma_start3A_10 = tpu.memref_slice %arg4[%mul3A_2, %dma_start3A_9] : memref<1536x128xf32, #tpu.memory_space<hbm>> -> memref<48x128xf32, #tpu.memory_space<hbm>>
      tpu.enqueue_dma source(%arg6 : memref<48x128xf32, #tpu.memory_space<vmem>>) target(%dma_start3A_10 : memref<48x128xf32, #tpu.memory_space<hbm>>) target_semaphore(%run_scoped3A : memref<!tpu.dma_semaphore, #tpu.memory_space<semaphore_mem>>)
      %dma_wait3A_11 = arith.constant 0 : i32
      %dma_wait3A_12 = tpu.memref_slice %arg4[%mul3A_2, %dma_wait3A_11] : memref<1536x128xf32, #tpu.memory_space<hbm>> -> memref<48x128xf32, #tpu.memory_space<hbm>>
      %dma_wait3A_13 = arith.constant 0 : i32
      %dma_wait3A_14 = tpu.memref_slice %arg4[%mul3A_2, %dma_wait3A_13] : memref<1536x128xf32, #tpu.memory_space<hbm>> -> memref<48x128xf32, #tpu.memory_space<hbm>>
      tpu.wait_dma2 semaphore(%run_scoped3A : memref<!tpu.dma_semaphore, #tpu.memory_space<semaphore_mem>>) src(%arg6 : memref<48x128xf32, #tpu.memory_space<vmem>>) dst(%dma_wait3A_14 : memref<48x128xf32, #tpu.memory_space<hbm>>)
      tpu.yield
    }) : () -> ()
    return
  }
}

#map = affine_map<(d0, d1) -> (0, 0)>
#map1 = affine_map<(d0, d1) -> (0)>
module attributes {stable_mosaic.version = 14 : i64} {
  func.func @k(%arg0: i32, %arg1: i32, %arg2: memref<49152x256xf32, #tpu.memory_space<hbm>>, %arg3: memref<768xi32, #tpu.memory_space<hbm>>, %arg4: memref<768x256xf32, #tpu.memory_space<hbm>>, %arg5: memref<24xi32, #tpu.memory_space<vmem>>, %arg6: memref<24x256xf32, #tpu.memory_space<vmem>>, %arg7: memref<!tpu.dma_semaphore, #tpu.memory_space<semaphore_mem>>) attributes {dimension_semantics = [#tpu.dimension_semantics<core_parallel>, #tpu.dimension_semantics<subcore_parallel>], iteration_bounds = array<i64: 2, 16>, scalar_prefetch = 0 : i64, scratch_operands = 3 : i64, tpu.core_type = #tpu.core_type<sc_vector_subcore>, window_params = [{transform_indices = #map}, {transform_indices = #map1}, {transform_indices = #map}]} {
    %mul3A = arith.constant 2 : i32
    %mul3A_0 = arith.muli %arg1, %mul3A : i32
    %add3A = arith.addi %mul3A_0, %arg0 : i32
    %mul3A_1 = arith.constant 24 : i32
    %mul3A_2 = arith.muli %add3A, %mul3A_1 : i32
    "tpu.region"() ({
      %run_scoped3A = tpu.sem_alloc : memref<!tpu.dma_semaphore, #tpu.memory_space<semaphore_mem>>
      %dma_start3A_7 = tpu.memref_slice %arg3[%mul3A_2] : memref<768xi32, #tpu.memory_space<hbm>> -> memref<24xi32, #tpu.memory_space<hbm>>
      %dma_start3A_8 = tpu.memref_slice %arg3[%mul3A_2] : memref<768xi32, #tpu.memory_space<hbm>> -> memref<24xi32, #tpu.memory_space<hbm>>
      tpu.enqueue_dma source(%dma_start3A_8 : memref<24xi32, #tpu.memory_space<hbm>>) target(%arg5 : memref<24xi32, #tpu.memory_space<vmem>>) target_semaphore(%run_scoped3A : memref<!tpu.dma_semaphore, #tpu.memory_space<semaphore_mem>>)
      %dma_wait3A_9 = tpu.memref_slice %arg3[%mul3A_2] : memref<768xi32, #tpu.memory_space<hbm>> -> memref<24xi32, #tpu.memory_space<hbm>>
      %dma_wait3A_10 = tpu.memref_slice %arg3[%mul3A_2] : memref<768xi32, #tpu.memory_space<hbm>> -> memref<24xi32, #tpu.memory_space<hbm>>
      tpu.wait_dma2 semaphore(%run_scoped3A : memref<!tpu.dma_semaphore, #tpu.memory_space<semaphore_mem>>) src(%dma_wait3A_10 : memref<24xi32, #tpu.memory_space<hbm>>) dst(%arg5 : memref<24xi32, #tpu.memory_space<vmem>>)
      tpu.yield
    }) : () -> ()
    %dma_start3A = arith.constant 0 : i32
    %dma_start3A_3 = arith.constant 0 : i32
    %dma_start3A_4 = tpu.memref_slice %arg2[%dma_start3A, %dma_start3A_3] : memref<49152x256xf32, #tpu.memory_space<hbm>> -> memref<49152x256xf32, #tpu.memory_space<hbm>>
    tpu.enqueue_indirect_dma source(%dma_start3A_4 : memref<49152x256xf32, #tpu.memory_space<hbm>>) target(%arg6 : memref<24x256xf32, #tpu.memory_space<vmem>>) offsets(%arg5 : memref<24xi32, #tpu.memory_space<vmem>>) semaphore(%arg7 : memref<!tpu.dma_semaphore, #tpu.memory_space<semaphore_mem>>)
    %dma_wait3A = arith.constant 0 : i32
    %dma_wait3A_5 = arith.constant 0 : i32
    %dma_wait3A_6 = tpu.memref_slice %arg2[%dma_wait3A, %dma_wait3A_5] : memref<49152x256xf32, #tpu.memory_space<hbm>> -> memref<49152x256xf32, #tpu.memory_space<hbm>>
    tpu.wait_indirect_dma semaphore(%arg7 : memref<!tpu.dma_semaphore, #tpu.memory_space<semaphore_mem>>) src(%dma_wait3A_6 : memref<49152x256xf32, #tpu.memory_space<hbm>>) dst(%arg6 : memref<24x256xf32, #tpu.memory_space<vmem>>)
    "tpu.region"() ({
      %run_scoped3A = tpu.sem_alloc : memref<!tpu.dma_semaphore, #tpu.memory_space<semaphore_mem>>
      %dma_start3A_7 = arith.constant 0 : i32
      %dma_start3A_8 = tpu.memref_slice %arg4[%mul3A_2, %dma_start3A_7] : memref<768x256xf32, #tpu.memory_space<hbm>> -> memref<24x256xf32, #tpu.memory_space<hbm>>
      %dma_start3A_9 = arith.constant 0 : i32
      %dma_start3A_10 = tpu.memref_slice %arg4[%mul3A_2, %dma_start3A_9] : memref<768x256xf32, #tpu.memory_space<hbm>> -> memref<24x256xf32, #tpu.memory_space<hbm>>
      tpu.enqueue_dma source(%arg6 : memref<24x256xf32, #tpu.memory_space<vmem>>) target(%dma_start3A_10 : memref<24x256xf32, #tpu.memory_space<hbm>>) target_semaphore(%run_scoped3A : memref<!tpu.dma_semaphore, #tpu.memory_space<semaphore_mem>>)
      %dma_wait3A_11 = arith.constant 0 : i32
      %dma_wait3A_12 = tpu.memref_slice %arg4[%mul3A_2, %dma_wait3A_11] : memref<768x256xf32, #tpu.memory_space<hbm>> -> memref<24x256xf32, #tpu.memory_space<hbm>>
      %dma_wait3A_13 = arith.constant 0 : i32
      %dma_wait3A_14 = tpu.memref_slice %arg4[%mul3A_2, %dma_wait3A_13] : memref<768x256xf32, #tpu.memory_space<hbm>> -> memref<24x256xf32, #tpu.memory_space<hbm>>
      tpu.wait_dma2 semaphore(%run_scoped3A : memref<!tpu.dma_semaphore, #tpu.memory_space<semaphore_mem>>) src(%arg6 : memref<24x256xf32, #tpu.memory_space<vmem>>) dst(%dma_wait3A_14 : memref<24x256xf32, #tpu.memory_space<hbm>>)
      tpu.yield
    }) : () -> ()
    return
  }
}

module attributes {stable_mosaic.version = 14 : i64} {
  func.func @_matmul_bias_relu_kernel(%arg0: i32, %arg1: memref<96x80xf32, #tpu.memory_space<vmem>>, %arg2: memref<80x2048xf32, #tpu.memory_space<vmem>>, %arg3: memref<96x1xf32, #tpu.memory_space<vmem>>, %arg4: memref<96x2048xf32, #tpu.memory_space<vmem>>) attributes {dimension_semantics = [#tpu.dimension_semantics<arbitrary>], iteration_bounds = array<i64: 4>, scalar_prefetch = 0 : i64, scratch_operands = 0 : i64, tpu.core_type = #tpu.core_type<tc>, window_params = [{pipeline_mode = #tpu.pipeline_mode<synchronous>, transform_indices = @transform_0, window_bounds = array<i64: 96, 80>}, {transform_indices = @transform_1, window_bounds = array<i64: 80, 2048>}, {pipeline_mode = #tpu.pipeline_mode<synchronous>, transform_indices = @transform_2, window_bounds = array<i64: 96, 1>}, {transform_indices = @transform_3, window_bounds = array<i64: 96, 2048>}]} {
    %get3A = arith.constant 0 : index
    %get3A_0 = arith.constant 0 : index
    %get3A_1 = vector.load %arg1[%get3A, %get3A_0] : memref<96x80xf32, #tpu.memory_space<vmem>>, vector<96x80xf32>
    %convert_element_type3A = arith.truncf %get3A_1 : vector<96x80xf32> to vector<96x80xbf16>
    %get3A_2 = arith.constant 0 : index
    %get3A_3 = arith.constant 0 : index
    %get3A_4 = vector.load %arg2[%get3A_2, %get3A_3] : memref<80x2048xf32, #tpu.memory_space<vmem>>, vector<80x2048xf32>
    %convert_element_type3A_5 = arith.truncf %get3A_4 : vector<80x2048xf32> to vector<80x2048xbf16>
    %dot_general3A = arith.constant dense<0.000000e+00> : vector<96x2048xf32>
    %dot_general3A_6 = tpu.matmul %convert_element_type3A, %convert_element_type3A_5, %dot_general3A {dimension_numbers = #tpu.dot_dimension_numbers<[1], [0], [0], [1], [0, 0, 1, 1], [], []>, transpose_lhs_hint = false} : vector<96x80xbf16>, vector<80x2048xbf16>, vector<96x2048xf32> -> vector<96x2048xf32>
    %get3A_7 = arith.constant 0 : index
    %get3A_8 = arith.constant 0 : index
    %get3A_9 = vector.load %arg3[%get3A_7, %get3A_8] : memref<96x1xf32, #tpu.memory_space<vmem>>, vector<96x1xf32>
    %add3A = vector.broadcast %get3A_9 : vector<96x1xf32> to vector<96x2048xf32>
    %add3A_10 = arith.addf %dot_general3A_6, %add3A : vector<96x2048xf32>
    %max3A = arith.constant 0.000000e+00 : f32
    %max3A_11 = vector.broadcast %max3A : f32 to vector<96x2048xf32>
    %max3A_12 = arith.maximumf %add3A_10, %max3A_11 : vector<96x2048xf32>
    %swap3A = arith.constant 0 : index
    %swap3A_13 = arith.constant 0 : index
    %swap3A_14 = vector.load %arg4[%swap3A, %swap3A_13] : memref<96x2048xf32, #tpu.memory_space<vmem>>, vector<96x2048xf32>
    tpu.vector_store %arg4[%swap3A, %swap3A_13], %max3A_12 {strides = array<i32>} : memref<96x2048xf32, #tpu.memory_space<vmem>>, vector<96x2048xf32>,
    return
  }
  func.func @transform_0(%arg0: i32) -> (i32, i32) {
    %c0_i32 = arith.constant 0 : i32
    %c0_i32_0 = arith.constant 0 : i32
    %c0_i32_1 = arith.constant 0 : i32
    return %c0_i32, %c0_i32_0 : i32, i32
  }
  func.func @transform_1(%arg0: i32) -> (i32, i32) {
    %c0_i32 = arith.constant 0 : i32
    %c0_i32_0 = arith.constant 0 : i32
    return %c0_i32, %arg0 : i32, i32
  }
  func.func @transform_2(%arg0: i32) -> (i32, i32) {
    %c0_i32 = arith.constant 0 : i32
    %c0_i32_0 = arith.constant 0 : i32
    %c0_i32_1 = arith.constant 0 : i32
    return %c0_i32, %c0_i32_0 : i32, i32
  }
  func.func @transform_3(%arg0: i32) -> (i32, i32) {
    %c0_i32 = arith.constant 0 : i32
    %c0_i32_0 = arith.constant 0 : i32
    return %c0_i32, %arg0 : i32, i32
  }
}

module attributes {stable_mosaic.version = 14 : i64} {
  func.func @_pool_norm_kernel(%arg0: memref<4x8x96x256xf32, #tpu.memory_space<vmem>>, %arg1: memref<8x96x256xf32, #tpu.memory_space<vmem>>) attributes {dimension_semantics = [], scalar_prefetch = 0 : i64, scratch_operands = 0 : i64, tpu.core_type = #tpu.core_type<tc>} {
    %get3A = arith.constant 0 : index
    %get3A_0 = arith.constant 0 : index
    %get3A_1 = arith.constant 0 : index
    %get3A_2 = arith.constant 0 : index
    %get3A_3 = vector.load %arg0[%get3A, %get3A_0, %get3A_1, %get3A_2] : memref<4x8x96x256xf32, #tpu.memory_space<vmem>>, vector<4x8x96x256xf32>
    %slice3A = vector.extract_strided_slice %get3A_3 {offsets = [0, 0, 0, 0], sizes = [1, 8, 96, 256], strides = [1, 1, 1, 1]} : vector<4x8x96x256xf32> to vector<1x8x96x256xf32>
    %squeeze3A = vector.shape_cast %slice3A : vector<1x8x96x256xf32> to vector<8x96x256xf32>
    %slice3A_4 = vector.extract_strided_slice %get3A_3 {offsets = [1, 0, 0, 0], sizes = [1, 8, 96, 256], strides = [1, 1, 1, 1]} : vector<4x8x96x256xf32> to vector<1x8x96x256xf32>
    %squeeze3A_5 = vector.shape_cast %slice3A_4 : vector<1x8x96x256xf32> to vector<8x96x256xf32>
    %max3A = arith.maximumf %squeeze3A, %squeeze3A_5 : vector<8x96x256xf32>
    %slice3A_6 = vector.extract_strided_slice %get3A_3 {offsets = [2, 0, 0, 0], sizes = [1, 8, 96, 256], strides = [1, 1, 1, 1]} : vector<4x8x96x256xf32> to vector<1x8x96x256xf32>
    %squeeze3A_7 = vector.shape_cast %slice3A_6 : vector<1x8x96x256xf32> to vector<8x96x256xf32>
    %slice3A_8 = vector.extract_strided_slice %get3A_3 {offsets = [3, 0, 0, 0], sizes = [1, 8, 96, 256], strides = [1, 1, 1, 1]} : vector<4x8x96x256xf32> to vector<1x8x96x256xf32>
    %squeeze3A_9 = vector.shape_cast %slice3A_8 : vector<1x8x96x256xf32> to vector<8x96x256xf32>
    %max3A_10 = arith.maximumf %squeeze3A_7, %squeeze3A_9 : vector<8x96x256xf32>
    %max3A_11 = arith.maximumf %max3A, %max3A_10 : vector<8x96x256xf32>
    %mul3A = arith.mulf %max3A_11, %max3A_11 : vector<8x96x256xf32>
    %reduce_sum3A = arith.constant dense<0.000000e+00> : vector<8x96xf32>
    %reduce_sum3A_12 = vector.multi_reduction <add>, %mul3A, %reduce_sum3A [2] : vector<8x96x256xf32> to vector<8x96xf32>
    %broadcast_in_dim3A = vector.shape_cast %reduce_sum3A_12 : vector<8x96xf32> to vector<8x96x1xf32>
    %sqrt3A = math.sqrt %broadcast_in_dim3A : vector<8x96x1xf32>
    %max3A_13 = arith.constant 9.99999996E-13 : f32
    %max3A_14 = vector.broadcast %max3A_13 : f32 to vector<8x96x1xf32>
    %max3A_15 = arith.maximumf %sqrt3A, %max3A_14 : vector<8x96x1xf32>
    %div3A = vector.broadcast %max3A_15 : vector<8x96x1xf32> to vector<8x96x256xf32>
    %div3A_16 = arith.divf %max3A_11, %div3A : vector<8x96x256xf32>
    %swap3A = arith.constant 0 : index
    %swap3A_17 = arith.constant 0 : index
    %swap3A_18 = arith.constant 0 : index
    %swap3A_19 = vector.load %arg1[%swap3A, %swap3A_17, %swap3A_18] : memref<8x96x256xf32, #tpu.memory_space<vmem>>, vector<8x96x256xf32>
    tpu.vector_store %arg1[%swap3A, %swap3A_17, %swap3A_18], %div3A_16 {strides = array<i32>} : memref<8x96x256xf32, #tpu.memory_space<vmem>>, vector<8x96x256xf32>,
    return
  }
}

module attributes {stable_mosaic.version = 14 : i64} {
  func.func @_score_argmin_kernel(%arg0: i32, %arg1: memref<8x8x256xf32, #tpu.memory_space<vmem>>, %arg2: memref<8x512x256xf32, #tpu.memory_space<vmem>>, %arg3: memref<1x8x8xi32, #tpu.memory_space<vmem>>) attributes {dimension_semantics = [#tpu.dimension_semantics<arbitrary>], iteration_bounds = array<i64: 12>, scalar_prefetch = 0 : i64, scratch_operands = 0 : i64, tpu.core_type = #tpu.core_type<tc>, window_params = [{transform_indices = @transform_0, window_bounds = array<i64: 8, 8, 256>}, {transform_indices = @transform_1, window_bounds = array<i64: 8, 512, 256>}, {transform_indices = @transform_2, window_bounds = array<i64: 1, 8, 8>}]} {
    %get3A = arith.constant 0 : index
    %get3A_0 = arith.constant 0 : index
    %get3A_1 = arith.constant 0 : index
    %get3A_2 = vector.load %arg1[%get3A, %get3A_0, %get3A_1] : memref<8x8x256xf32, #tpu.memory_space<vmem>>, vector<8x8x256xf32>
    %get3A_3 = arith.constant 0 : index
    %get3A_4 = arith.constant 0 : index
    %get3A_5 = arith.constant 0 : index
    %get3A_6 = vector.load %arg2[%get3A_3, %get3A_4, %get3A_5] : memref<8x512x256xf32, #tpu.memory_space<vmem>>, vector<8x512x256xf32>
    %slice3A = vector.extract_strided_slice %get3A_6 {offsets = [0, 0, 0], sizes = [1, 512, 256], strides = [1, 1, 1]} : vector<8x512x256xf32> to vector<1x512x256xf32>
    %squeeze3A = vector.shape_cast %slice3A : vector<1x512x256xf32> to vector<512x256xf32>
    %mul3A = arith.mulf %squeeze3A, %squeeze3A : vector<512x256xf32>
    %reduce_sum3A = arith.constant dense<0.000000e+00> : vector<512xf32>
    %reduce_sum3A_7 = vector.multi_reduction <add>, %mul3A, %reduce_sum3A [1] : vector<512x256xf32> to vector<512xf32>
    %reshape3A = vector.shape_cast %reduce_sum3A_7 : vector<512xf32> to vector<1x512xf32>
    %slice3A_8 = vector.extract_strided_slice %get3A_2 {offsets = [0, 0, 0], sizes = [8, 1, 256], strides = [1, 1, 1]} : vector<8x8x256xf32> to vector<8x1x256xf32>
    %squeeze3A_9 = vector.shape_cast %slice3A_8 : vector<8x1x256xf32> to vector<8x256xf32>
    %dot_general3A = arith.constant dense<0.000000e+00> : vector<8x512xf32>
    %dot_general3A_10 = tpu.matmul %squeeze3A_9, %squeeze3A, %dot_general3A {dimension_numbers = #tpu.dot_dimension_numbers<[1], [1], [0], [0], [0, 0, 1, 0], [], []>, precision = #tpu.contract_precision<fp32>, transpose_lhs_hint = false} : vector<8x256xf32>, vector<512x256xf32>, vector<8x512xf32> -> vector<8x512xf32>
    %mul3A_11 = arith.constant 2.000000e+00 : f32
    %mul3A_12 = vector.broadcast %mul3A_11 : f32 to vector<8x512xf32>
    %mul3A_13 = arith.mulf %mul3A_12, %dot_general3A_10 : vector<8x512xf32>
    %sub3A = vector.broadcast %reshape3A : vector<1x512xf32> to vector<8x512xf32>
    %sub3A_14 = arith.subf %sub3A, %mul3A_13 : vector<8x512xf32>
    %reduce_min3A = arith.constant dense<0x7F800000> : vector<8xf32>
    %reduce_min3A_15 = vector.multi_reduction <minimumf>, %sub3A_14, %reduce_min3A [1] : vector<8x512xf32> to vector<8xf32>
    %broadcast_in_dim3A = vector.shape_cast %reduce_min3A_15 : vector<8xf32> to vector<8x1xf32>
    %iota3A = tpu.iota {dimensions = array<i32: 1>} : vector<8x512xi32>
    %eq3A = vector.broadcast %broadcast_in_dim3A : vector<8x1xf32> to vector<8x512xf32>
    %eq3A_16 = arith.cmpf oeq, %sub3A_14, %eq3A : vector<8x512xf32>
    %jit3A = arith.constant 512 : i32
    %broadcast_in_dim3A_17 = vector.broadcast %jit3A : i32 to vector<8x512xi32>
    %select_n3A = arith.select %eq3A_16, %iota3A, %broadcast_in_dim3A_17 : vector<8x512xi1>, vector<8x512xi32>
    %reduce_min3A_18 = arith.constant dense<2147483647> : vector<8xi32>
    %reduce_min3A_19 = vector.multi_reduction <minsi>, %select_n3A, %reduce_min3A_18 [1] : vector<8x512xi32> to vector<8xi32>
    %broadcast_in_dim3A_20 = vector.shape_cast %reduce_min3A_19 : vector<8xi32> to vector<8x1xi32>
    %mul3A_21 = arith.constant 8 : i32
    %mul3A_22 = arith.muli %arg0, %mul3A_21 : i32
    %add3A = arith.constant 0 : i32
    %add3A_23 = arith.addi %mul3A_22, %add3A : i32
    %mul3A_24 = arith.constant 512 : i32
    %mul3A_25 = arith.muli %add3A_23, %mul3A_24 : i32
    %add3A_26 = vector.broadcast %mul3A_25 : i32 to vector<8x1xi32>
    %add3A_27 = arith.addi %broadcast_in_dim3A_20, %add3A_26 : vector<8x1xi32>
    %slice3A_28 = vector.extract_strided_slice %get3A_6 {offsets = [1, 0, 0], sizes = [1, 512, 256], strides = [1, 1, 1]} : vector<8x512x256xf32> to vector<1x512x256xf32>
    %squeeze3A_29 = vector.shape_cast %slice3A_28 : vector<1x512x256xf32> to vector<512x256xf32>
    %mul3A_30 = arith.mulf %squeeze3A_29, %squeeze3A_29 : vector<512x256xf32>
    %reduce_sum3A_31 = arith.constant dense<0.000000e+00> : vector<512xf32>
    %reduce_sum3A_32 = vector.multi_reduction <add>, %mul3A_30, %reduce_sum3A_31 [1] : vector<512x256xf32> to vector<512xf32>
    %reshape3A_33 = vector.shape_cast %reduce_sum3A_32 : vector<512xf32> to vector<1x512xf32>
    %slice3A_34 = vector.extract_strided_slice %get3A_2 {offsets = [0, 1, 0], sizes = [8, 1, 256], strides = [1, 1, 1]} : vector<8x8x256xf32> to vector<8x1x256xf32>
    %squeeze3A_35 = vector.shape_cast %slice3A_34 : vector<8x1x256xf32> to vector<8x256xf32>
    %dot_general3A_36 = arith.constant dense<0.000000e+00> : vector<8x512xf32>
    %dot_general3A_37 = tpu.matmul %squeeze3A_35, %squeeze3A_29, %dot_general3A_36 {dimension_numbers = #tpu.dot_dimension_numbers<[1], [1], [0], [0], [0, 0, 1, 0], [], []>, precision = #tpu.contract_precision<fp32>, transpose_lhs_hint = false} : vector<8x256xf32>, vector<512x256xf32>, vector<8x512xf32> -> vector<8x512xf32>
    %mul3A_38 = arith.constant 2.000000e+00 : f32
    %mul3A_39 = vector.broadcast %mul3A_38 : f32 to vector<8x512xf32>
    %mul3A_40 = arith.mulf %mul3A_39, %dot_general3A_37 : vector<8x512xf32>
    %sub3A_41 = vector.broadcast %reshape3A_33 : vector<1x512xf32> to vector<8x512xf32>
    %sub3A_42 = arith.subf %sub3A_41, %mul3A_40 : vector<8x512xf32>
    %reduce_min3A_43 = arith.constant dense<0x7F800000> : vector<8xf32>
    %reduce_min3A_44 = vector.multi_reduction <minimumf>, %sub3A_42, %reduce_min3A_43 [1] : vector<8x512xf32> to vector<8xf32>
    %broadcast_in_dim3A_45 = vector.shape_cast %reduce_min3A_44 : vector<8xf32> to vector<8x1xf32>
    %iota3A_46 = tpu.iota {dimensions = array<i32: 1>} : vector<8x512xi32>
    %eq3A_47 = vector.broadcast %broadcast_in_dim3A_45 : vector<8x1xf32> to vector<8x512xf32>
    %eq3A_48 = arith.cmpf oeq, %sub3A_42, %eq3A_47 : vector<8x512xf32>
    %jit3A_49 = arith.constant 512 : i32
    %broadcast_in_dim3A_50 = vector.broadcast %jit3A_49 : i32 to vector<8x512xi32>
    %select_n3A_51 = arith.select %eq3A_48, %iota3A_46, %broadcast_in_dim3A_50 : vector<8x512xi1>, vector<8x512xi32>
    %reduce_min3A_52 = arith.constant dense<2147483647> : vector<8xi32>
    %reduce_min3A_53 = vector.multi_reduction <minsi>, %select_n3A_51, %reduce_min3A_52 [1] : vector<8x512xi32> to vector<8xi32>
    %broadcast_in_dim3A_54 = vector.shape_cast %reduce_min3A_53 : vector<8xi32> to vector<8x1xi32>
    %mul3A_55 = arith.constant 8 : i32
    %mul3A_56 = arith.muli %arg0, %mul3A_55 : i32
    %add3A_57 = arith.constant 1 : i32
    %add3A_58 = arith.addi %mul3A_56, %add3A_57 : i32
    %mul3A_59 = arith.constant 512 : i32
    %mul3A_60 = arith.muli %add3A_58, %mul3A_59 : i32
    %add3A_61 = vector.broadcast %mul3A_60 : i32 to vector<8x1xi32>
    %add3A_62 = arith.addi %broadcast_in_dim3A_54, %add3A_61 : vector<8x1xi32>
    %slice3A_63 = vector.extract_strided_slice %get3A_6 {offsets = [2, 0, 0], sizes = [1, 512, 256], strides = [1, 1, 1]} : vector<8x512x256xf32> to vector<1x512x256xf32>
    %squeeze3A_64 = vector.shape_cast %slice3A_63 : vector<1x512x256xf32> to vector<512x256xf32>
    %mul3A_65 = arith.mulf %squeeze3A_64, %squeeze3A_64 : vector<512x256xf32>
    %reduce_sum3A_66 = arith.constant dense<0.000000e+00> : vector<512xf32>
    %reduce_sum3A_67 = vector.multi_reduction <add>, %mul3A_65, %reduce_sum3A_66 [1] : vector<512x256xf32> to vector<512xf32>
    %reshape3A_68 = vector.shape_cast %reduce_sum3A_67 : vector<512xf32> to vector<1x512xf32>
    %slice3A_69 = vector.extract_strided_slice %get3A_2 {offsets = [0, 2, 0], sizes = [8, 1, 256], strides = [1, 1, 1]} : vector<8x8x256xf32> to vector<8x1x256xf32>
    %squeeze3A_70 = vector.shape_cast %slice3A_69 : vector<8x1x256xf32> to vector<8x256xf32>
    %dot_general3A_71 = arith.constant dense<0.000000e+00> : vector<8x512xf32>
    %dot_general3A_72 = tpu.matmul %squeeze3A_70, %squeeze3A_64, %dot_general3A_71 {dimension_numbers = #tpu.dot_dimension_numbers<[1], [1], [0], [0], [0, 0, 1, 0], [], []>, precision = #tpu.contract_precision<fp32>, transpose_lhs_hint = false} : vector<8x256xf32>, vector<512x256xf32>, vector<8x512xf32> -> vector<8x512xf32>
    %mul3A_73 = arith.constant 2.000000e+00 : f32
    %mul3A_74 = vector.broadcast %mul3A_73 : f32 to vector<8x512xf32>
    %mul3A_75 = arith.mulf %mul3A_74, %dot_general3A_72 : vector<8x512xf32>
    %sub3A_76 = vector.broadcast %reshape3A_68 : vector<1x512xf32> to vector<8x512xf32>
    %sub3A_77 = arith.subf %sub3A_76, %mul3A_75 : vector<8x512xf32>
    %reduce_min3A_78 = arith.constant dense<0x7F800000> : vector<8xf32>
    %reduce_min3A_79 = vector.multi_reduction <minimumf>, %sub3A_77, %reduce_min3A_78 [1] : vector<8x512xf32> to vector<8xf32>
    %broadcast_in_dim3A_80 = vector.shape_cast %reduce_min3A_79 : vector<8xf32> to vector<8x1xf32>
    %iota3A_81 = tpu.iota {dimensions = array<i32: 1>} : vector<8x512xi32>
    %eq3A_82 = vector.broadcast %broadcast_in_dim3A_80 : vector<8x1xf32> to vector<8x512xf32>
    %eq3A_83 = arith.cmpf oeq, %sub3A_77, %eq3A_82 : vector<8x512xf32>
    %jit3A_84 = arith.constant 512 : i32
    %broadcast_in_dim3A_85 = vector.broadcast %jit3A_84 : i32 to vector<8x512xi32>
    %select_n3A_86 = arith.select %eq3A_83, %iota3A_81, %broadcast_in_dim3A_85 : vector<8x512xi1>, vector<8x512xi32>
    %reduce_min3A_87 = arith.constant dense<2147483647> : vector<8xi32>
    %reduce_min3A_88 = vector.multi_reduction <minsi>, %select_n3A_86, %reduce_min3A_87 [1] : vector<8x512xi32> to vector<8xi32>
    %broadcast_in_dim3A_89 = vector.shape_cast %reduce_min3A_88 : vector<8xi32> to vector<8x1xi32>
    %mul3A_90 = arith.constant 8 : i32
    %mul3A_91 = arith.muli %arg0, %mul3A_90 : i32
    %add3A_92 = arith.constant 2 : i32
    %add3A_93 = arith.addi %mul3A_91, %add3A_92 : i32
    %mul3A_94 = arith.constant 512 : i32
    %mul3A_95 = arith.muli %add3A_93, %mul3A_94 : i32
    %add3A_96 = vector.broadcast %mul3A_95 : i32 to vector<8x1xi32>
    %add3A_97 = arith.addi %broadcast_in_dim3A_89, %add3A_96 : vector<8x1xi32>
    %slice3A_98 = vector.extract_strided_slice %get3A_6 {offsets = [3, 0, 0], sizes = [1, 512, 256], strides = [1, 1, 1]} : vector<8x512x256xf32> to vector<1x512x256xf32>
    %squeeze3A_99 = vector.shape_cast %slice3A_98 : vector<1x512x256xf32> to vector<512x256xf32>
    %mul3A_100 = arith.mulf %squeeze3A_99, %squeeze3A_99 : vector<512x256xf32>
    %reduce_sum3A_101 = arith.constant dense<0.000000e+00> : vector<512xf32>
    %reduce_sum3A_102 = vector.multi_reduction <add>, %mul3A_100, %reduce_sum3A_101 [1] : vector<512x256xf32> to vector<512xf32>
    %reshape3A_103 = vector.shape_cast %reduce_sum3A_102 : vector<512xf32> to vector<1x512xf32>
    %slice3A_104 = vector.extract_strided_slice %get3A_2 {offsets = [0, 3, 0], sizes = [8, 1, 256], strides = [1, 1, 1]} : vector<8x8x256xf32> to vector<8x1x256xf32>
    %squeeze3A_105 = vector.shape_cast %slice3A_104 : vector<8x1x256xf32> to vector<8x256xf32>
    %dot_general3A_106 = arith.constant dense<0.000000e+00> : vector<8x512xf32>
    %dot_general3A_107 = tpu.matmul %squeeze3A_105, %squeeze3A_99, %dot_general3A_106 {dimension_numbers = #tpu.dot_dimension_numbers<[1], [1], [0], [0], [0, 0, 1, 0], [], []>, precision = #tpu.contract_precision<fp32>, transpose_lhs_hint = false} : vector<8x256xf32>, vector<512x256xf32>, vector<8x512xf32> -> vector<8x512xf32>
    %mul3A_108 = arith.constant 2.000000e+00 : f32
    %mul3A_109 = vector.broadcast %mul3A_108 : f32 to vector<8x512xf32>
    %mul3A_110 = arith.mulf %mul3A_109, %dot_general3A_107 : vector<8x512xf32>
    %sub3A_111 = vector.broadcast %reshape3A_103 : vector<1x512xf32> to vector<8x512xf32>
    %sub3A_112 = arith.subf %sub3A_111, %mul3A_110 : vector<8x512xf32>
    %reduce_min3A_113 = arith.constant dense<0x7F800000> : vector<8xf32>
    %reduce_min3A_114 = vector.multi_reduction <minimumf>, %sub3A_112, %reduce_min3A_113 [1] : vector<8x512xf32> to vector<8xf32>
    %broadcast_in_dim3A_115 = vector.shape_cast %reduce_min3A_114 : vector<8xf32> to vector<8x1xf32>
    %iota3A_116 = tpu.iota {dimensions = array<i32: 1>} : vector<8x512xi32>
    %eq3A_117 = vector.broadcast %broadcast_in_dim3A_115 : vector<8x1xf32> to vector<8x512xf32>
    %eq3A_118 = arith.cmpf oeq, %sub3A_112, %eq3A_117 : vector<8x512xf32>
    %jit3A_119 = arith.constant 512 : i32
    %broadcast_in_dim3A_120 = vector.broadcast %jit3A_119 : i32 to vector<8x512xi32>
    %select_n3A_121 = arith.select %eq3A_118, %iota3A_116, %broadcast_in_dim3A_120 : vector<8x512xi1>, vector<8x512xi32>
    %reduce_min3A_122 = arith.constant dense<2147483647> : vector<8xi32>
    %reduce_min3A_123 = vector.multi_reduction <minsi>, %select_n3A_121, %reduce_min3A_122 [1] : vector<8x512xi32> to vector<8xi32>
    %broadcast_in_dim3A_124 = vector.shape_cast %reduce_min3A_123 : vector<8xi32> to vector<8x1xi32>
    %mul3A_125 = arith.constant 8 : i32
    %mul3A_126 = arith.muli %arg0, %mul3A_125 : i32
    %add3A_127 = arith.constant 3 : i32
    %add3A_128 = arith.addi %mul3A_126, %add3A_127 : i32
    %mul3A_129 = arith.constant 512 : i32
    %mul3A_130 = arith.muli %add3A_128, %mul3A_129 : i32
    %add3A_131 = vector.broadcast %mul3A_130 : i32 to vector<8x1xi32>
    %add3A_132 = arith.addi %broadcast_in_dim3A_124, %add3A_131 : vector<8x1xi32>
    %slice3A_133 = vector.extract_strided_slice %get3A_6 {offsets = [4, 0, 0], sizes = [1, 512, 256], strides = [1, 1, 1]} : vector<8x512x256xf32> to vector<1x512x256xf32>
    %squeeze3A_134 = vector.shape_cast %slice3A_133 : vector<1x512x256xf32> to vector<512x256xf32>
    %mul3A_135 = arith.mulf %squeeze3A_134, %squeeze3A_134 : vector<512x256xf32>
    %reduce_sum3A_136 = arith.constant dense<0.000000e+00> : vector<512xf32>
    %reduce_sum3A_137 = vector.multi_reduction <add>, %mul3A_135, %reduce_sum3A_136 [1] : vector<512x256xf32> to vector<512xf32>
    %reshape3A_138 = vector.shape_cast %reduce_sum3A_137 : vector<512xf32> to vector<1x512xf32>
    %slice3A_139 = vector.extract_strided_slice %get3A_2 {offsets = [0, 4, 0], sizes = [8, 1, 256], strides = [1, 1, 1]} : vector<8x8x256xf32> to vector<8x1x256xf32>
    %squeeze3A_140 = vector.shape_cast %slice3A_139 : vector<8x1x256xf32> to vector<8x256xf32>
    %dot_general3A_141 = arith.constant dense<0.000000e+00> : vector<8x512xf32>
    %dot_general3A_142 = tpu.matmul %squeeze3A_140, %squeeze3A_134, %dot_general3A_141 {dimension_numbers = #tpu.dot_dimension_numbers<[1], [1], [0], [0], [0, 0, 1, 0], [], []>, precision = #tpu.contract_precision<fp32>, transpose_lhs_hint = false} : vector<8x256xf32>, vector<512x256xf32>, vector<8x512xf32> -> vector<8x512xf32>
    %mul3A_143 = arith.constant 2.000000e+00 : f32
    %mul3A_144 = vector.broadcast %mul3A_143 : f32 to vector<8x512xf32>
    %mul3A_145 = arith.mulf %mul3A_144, %dot_general3A_142 : vector<8x512xf32>
    %sub3A_146 = vector.broadcast %reshape3A_138 : vector<1x512xf32> to vector<8x512xf32>
    %sub3A_147 = arith.subf %sub3A_146, %mul3A_145 : vector<8x512xf32>
    %reduce_min3A_148 = arith.constant dense<0x7F800000> : vector<8xf32>
    %reduce_min3A_149 = vector.multi_reduction <minimumf>, %sub3A_147, %reduce_min3A_148 [1] : vector<8x512xf32> to vector<8xf32>
    %broadcast_in_dim3A_150 = vector.shape_cast %reduce_min3A_149 : vector<8xf32> to vector<8x1xf32>
    %iota3A_151 = tpu.iota {dimensions = array<i32: 1>} : vector<8x512xi32>
    %eq3A_152 = vector.broadcast %broadcast_in_dim3A_150 : vector<8x1xf32> to vector<8x512xf32>
    %eq3A_153 = arith.cmpf oeq, %sub3A_147, %eq3A_152 : vector<8x512xf32>
    %jit3A_154 = arith.constant 512 : i32
    %broadcast_in_dim3A_155 = vector.broadcast %jit3A_154 : i32 to vector<8x512xi32>
    %select_n3A_156 = arith.select %eq3A_153, %iota3A_151, %broadcast_in_dim3A_155 : vector<8x512xi1>, vector<8x512xi32>
    %reduce_min3A_157 = arith.constant dense<2147483647> : vector<8xi32>
    %reduce_min3A_158 = vector.multi_reduction <minsi>, %select_n3A_156, %reduce_min3A_157 [1] : vector<8x512xi32> to vector<8xi32>
    %broadcast_in_dim3A_159 = vector.shape_cast %reduce_min3A_158 : vector<8xi32> to vector<8x1xi32>
    %mul3A_160 = arith.constant 8 : i32
    %mul3A_161 = arith.muli %arg0, %mul3A_160 : i32
    %add3A_162 = arith.constant 4 : i32
    %add3A_163 = arith.addi %mul3A_161, %add3A_162 : i32
    %mul3A_164 = arith.constant 512 : i32
    %mul3A_165 = arith.muli %add3A_163, %mul3A_164 : i32
    %add3A_166 = vector.broadcast %mul3A_165 : i32 to vector<8x1xi32>
    %add3A_167 = arith.addi %broadcast_in_dim3A_159, %add3A_166 : vector<8x1xi32>
    %slice3A_168 = vector.extract_strided_slice %get3A_6 {offsets = [5, 0, 0], sizes = [1, 512, 256], strides = [1, 1, 1]} : vector<8x512x256xf32> to vector<1x512x256xf32>
    %squeeze3A_169 = vector.shape_cast %slice3A_168 : vector<1x512x256xf32> to vector<512x256xf32>
    %mul3A_170 = arith.mulf %squeeze3A_169, %squeeze3A_169 : vector<512x256xf32>
    %reduce_sum3A_171 = arith.constant dense<0.000000e+00> : vector<512xf32>
    %reduce_sum3A_172 = vector.multi_reduction <add>, %mul3A_170, %reduce_sum3A_171 [1] : vector<512x256xf32> to vector<512xf32>
    %reshape3A_173 = vector.shape_cast %reduce_sum3A_172 : vector<512xf32> to vector<1x512xf32>
    %slice3A_174 = vector.extract_strided_slice %get3A_2 {offsets = [0, 5, 0], sizes = [8, 1, 256], strides = [1, 1, 1]} : vector<8x8x256xf32> to vector<8x1x256xf32>
    %squeeze3A_175 = vector.shape_cast %slice3A_174 : vector<8x1x256xf32> to vector<8x256xf32>
    %dot_general3A_176 = arith.constant dense<0.000000e+00> : vector<8x512xf32>
    %dot_general3A_177 = tpu.matmul %squeeze3A_175, %squeeze3A_169, %dot_general3A_176 {dimension_numbers = #tpu.dot_dimension_numbers<[1], [1], [0], [0], [0, 0, 1, 0], [], []>, precision = #tpu.contract_precision<fp32>, transpose_lhs_hint = false} : vector<8x256xf32>, vector<512x256xf32>, vector<8x512xf32> -> vector<8x512xf32>
    %mul3A_178 = arith.constant 2.000000e+00 : f32
    %mul3A_179 = vector.broadcast %mul3A_178 : f32 to vector<8x512xf32>
    %mul3A_180 = arith.mulf %mul3A_179, %dot_general3A_177 : vector<8x512xf32>
    %sub3A_181 = vector.broadcast %reshape3A_173 : vector<1x512xf32> to vector<8x512xf32>
    %sub3A_182 = arith.subf %sub3A_181, %mul3A_180 : vector<8x512xf32>
    %reduce_min3A_183 = arith.constant dense<0x7F800000> : vector<8xf32>
    %reduce_min3A_184 = vector.multi_reduction <minimumf>, %sub3A_182, %reduce_min3A_183 [1] : vector<8x512xf32> to vector<8xf32>
    %broadcast_in_dim3A_185 = vector.shape_cast %reduce_min3A_184 : vector<8xf32> to vector<8x1xf32>
    %iota3A_186 = tpu.iota {dimensions = array<i32: 1>} : vector<8x512xi32>
    %eq3A_187 = vector.broadcast %broadcast_in_dim3A_185 : vector<8x1xf32> to vector<8x512xf32>
    %eq3A_188 = arith.cmpf oeq, %sub3A_182, %eq3A_187 : vector<8x512xf32>
    %jit3A_189 = arith.constant 512 : i32
    %broadcast_in_dim3A_190 = vector.broadcast %jit3A_189 : i32 to vector<8x512xi32>
    %select_n3A_191 = arith.select %eq3A_188, %iota3A_186, %broadcast_in_dim3A_190 : vector<8x512xi1>, vector<8x512xi32>
    %reduce_min3A_192 = arith.constant dense<2147483647> : vector<8xi32>
    %reduce_min3A_193 = vector.multi_reduction <minsi>, %select_n3A_191, %reduce_min3A_192 [1] : vector<8x512xi32> to vector<8xi32>
    %broadcast_in_dim3A_194 = vector.shape_cast %reduce_min3A_193 : vector<8xi32> to vector<8x1xi32>
    %mul3A_195 = arith.constant 8 : i32
    %mul3A_196 = arith.muli %arg0, %mul3A_195 : i32
    %add3A_197 = arith.constant 5 : i32
    %add3A_198 = arith.addi %mul3A_196, %add3A_197 : i32
    %mul3A_199 = arith.constant 512 : i32
    %mul3A_200 = arith.muli %add3A_198, %mul3A_199 : i32
    %add3A_201 = vector.broadcast %mul3A_200 : i32 to vector<8x1xi32>
    %add3A_202 = arith.addi %broadcast_in_dim3A_194, %add3A_201 : vector<8x1xi32>
    %slice3A_203 = vector.extract_strided_slice %get3A_6 {offsets = [6, 0, 0], sizes = [1, 512, 256], strides = [1, 1, 1]} : vector<8x512x256xf32> to vector<1x512x256xf32>
    %squeeze3A_204 = vector.shape_cast %slice3A_203 : vector<1x512x256xf32> to vector<512x256xf32>
    %mul3A_205 = arith.mulf %squeeze3A_204, %squeeze3A_204 : vector<512x256xf32>
    %reduce_sum3A_206 = arith.constant dense<0.000000e+00> : vector<512xf32>
    %reduce_sum3A_207 = vector.multi_reduction <add>, %mul3A_205, %reduce_sum3A_206 [1] : vector<512x256xf32> to vector<512xf32>
    %reshape3A_208 = vector.shape_cast %reduce_sum3A_207 : vector<512xf32> to vector<1x512xf32>
    %slice3A_209 = vector.extract_strided_slice %get3A_2 {offsets = [0, 6, 0], sizes = [8, 1, 256], strides = [1, 1, 1]} : vector<8x8x256xf32> to vector<8x1x256xf32>
    %squeeze3A_210 = vector.shape_cast %slice3A_209 : vector<8x1x256xf32> to vector<8x256xf32>
    %dot_general3A_211 = arith.constant dense<0.000000e+00> : vector<8x512xf32>
    %dot_general3A_212 = tpu.matmul %squeeze3A_210, %squeeze3A_204, %dot_general3A_211 {dimension_numbers = #tpu.dot_dimension_numbers<[1], [1], [0], [0], [0, 0, 1, 0], [], []>, precision = #tpu.contract_precision<fp32>, transpose_lhs_hint = false} : vector<8x256xf32>, vector<512x256xf32>, vector<8x512xf32> -> vector<8x512xf32>
    %mul3A_213 = arith.constant 2.000000e+00 : f32
    %mul3A_214 = vector.broadcast %mul3A_213 : f32 to vector<8x512xf32>
    %mul3A_215 = arith.mulf %mul3A_214, %dot_general3A_212 : vector<8x512xf32>
    %sub3A_216 = vector.broadcast %reshape3A_208 : vector<1x512xf32> to vector<8x512xf32>
    %sub3A_217 = arith.subf %sub3A_216, %mul3A_215 : vector<8x512xf32>
    %reduce_min3A_218 = arith.constant dense<0x7F800000> : vector<8xf32>
    %reduce_min3A_219 = vector.multi_reduction <minimumf>, %sub3A_217, %reduce_min3A_218 [1] : vector<8x512xf32> to vector<8xf32>
    %broadcast_in_dim3A_220 = vector.shape_cast %reduce_min3A_219 : vector<8xf32> to vector<8x1xf32>
    %iota3A_221 = tpu.iota {dimensions = array<i32: 1>} : vector<8x512xi32>
    %eq3A_222 = vector.broadcast %broadcast_in_dim3A_220 : vector<8x1xf32> to vector<8x512xf32>
    %eq3A_223 = arith.cmpf oeq, %sub3A_217, %eq3A_222 : vector<8x512xf32>
    %jit3A_224 = arith.constant 512 : i32
    %broadcast_in_dim3A_225 = vector.broadcast %jit3A_224 : i32 to vector<8x512xi32>
    %select_n3A_226 = arith.select %eq3A_223, %iota3A_221, %broadcast_in_dim3A_225 : vector<8x512xi1>, vector<8x512xi32>
    %reduce_min3A_227 = arith.constant dense<2147483647> : vector<8xi32>
    %reduce_min3A_228 = vector.multi_reduction <minsi>, %select_n3A_226, %reduce_min3A_227 [1] : vector<8x512xi32> to vector<8xi32>
    %broadcast_in_dim3A_229 = vector.shape_cast %reduce_min3A_228 : vector<8xi32> to vector<8x1xi32>
    %mul3A_230 = arith.constant 8 : i32
    %mul3A_231 = arith.muli %arg0, %mul3A_230 : i32
    %add3A_232 = arith.constant 6 : i32
    %add3A_233 = arith.addi %mul3A_231, %add3A_232 : i32
    %mul3A_234 = arith.constant 512 : i32
    %mul3A_235 = arith.muli %add3A_233, %mul3A_234 : i32
    %add3A_236 = vector.broadcast %mul3A_235 : i32 to vector<8x1xi32>
    %add3A_237 = arith.addi %broadcast_in_dim3A_229, %add3A_236 : vector<8x1xi32>
    %slice3A_238 = vector.extract_strided_slice %get3A_6 {offsets = [7, 0, 0], sizes = [1, 512, 256], strides = [1, 1, 1]} : vector<8x512x256xf32> to vector<1x512x256xf32>
    %squeeze3A_239 = vector.shape_cast %slice3A_238 : vector<1x512x256xf32> to vector<512x256xf32>
    %mul3A_240 = arith.mulf %squeeze3A_239, %squeeze3A_239 : vector<512x256xf32>
    %reduce_sum3A_241 = arith.constant dense<0.000000e+00> : vector<512xf32>
    %reduce_sum3A_242 = vector.multi_reduction <add>, %mul3A_240, %reduce_sum3A_241 [1] : vector<512x256xf32> to vector<512xf32>
    %reshape3A_243 = vector.shape_cast %reduce_sum3A_242 : vector<512xf32> to vector<1x512xf32>
    %slice3A_244 = vector.extract_strided_slice %get3A_2 {offsets = [0, 7, 0], sizes = [8, 1, 256], strides = [1, 1, 1]} : vector<8x8x256xf32> to vector<8x1x256xf32>
    %squeeze3A_245 = vector.shape_cast %slice3A_244 : vector<8x1x256xf32> to vector<8x256xf32>
    %dot_general3A_246 = arith.constant dense<0.000000e+00> : vector<8x512xf32>
    %dot_general3A_247 = tpu.matmul %squeeze3A_245, %squeeze3A_239, %dot_general3A_246 {dimension_numbers = #tpu.dot_dimension_numbers<[1], [1], [0], [0], [0, 0, 1, 0], [], []>, precision = #tpu.contract_precision<fp32>, transpose_lhs_hint = false} : vector<8x256xf32>, vector<512x256xf32>, vector<8x512xf32> -> vector<8x512xf32>
    %mul3A_248 = arith.constant 2.000000e+00 : f32
    %mul3A_249 = vector.broadcast %mul3A_248 : f32 to vector<8x512xf32>
    %mul3A_250 = arith.mulf %mul3A_249, %dot_general3A_247 : vector<8x512xf32>
    %sub3A_251 = vector.broadcast %reshape3A_243 : vector<1x512xf32> to vector<8x512xf32>
    %sub3A_252 = arith.subf %sub3A_251, %mul3A_250 : vector<8x512xf32>
    %reduce_min3A_253 = arith.constant dense<0x7F800000> : vector<8xf32>
    %reduce_min3A_254 = vector.multi_reduction <minimumf>, %sub3A_252, %reduce_min3A_253 [1] : vector<8x512xf32> to vector<8xf32>
    %broadcast_in_dim3A_255 = vector.shape_cast %reduce_min3A_254 : vector<8xf32> to vector<8x1xf32>
    %iota3A_256 = tpu.iota {dimensions = array<i32: 1>} : vector<8x512xi32>
    %eq3A_257 = vector.broadcast %broadcast_in_dim3A_255 : vector<8x1xf32> to vector<8x512xf32>
    %eq3A_258 = arith.cmpf oeq, %sub3A_252, %eq3A_257 : vector<8x512xf32>
    %jit3A_259 = arith.constant 512 : i32
    %broadcast_in_dim3A_260 = vector.broadcast %jit3A_259 : i32 to vector<8x512xi32>
    %select_n3A_261 = arith.select %eq3A_258, %iota3A_256, %broadcast_in_dim3A_260 : vector<8x512xi1>, vector<8x512xi32>
    %reduce_min3A_262 = arith.constant dense<2147483647> : vector<8xi32>
    %reduce_min3A_263 = vector.multi_reduction <minsi>, %select_n3A_261, %reduce_min3A_262 [1] : vector<8x512xi32> to vector<8xi32>
    %broadcast_in_dim3A_264 = vector.shape_cast %reduce_min3A_263 : vector<8xi32> to vector<8x1xi32>
    %mul3A_265 = arith.constant 8 : i32
    %mul3A_266 = arith.muli %arg0, %mul3A_265 : i32
    %add3A_267 = arith.constant 7 : i32
    %add3A_268 = arith.addi %mul3A_266, %add3A_267 : i32
    %mul3A_269 = arith.constant 512 : i32
    %mul3A_270 = arith.muli %add3A_268, %mul3A_269 : i32
    %add3A_271 = vector.broadcast %mul3A_270 : i32 to vector<8x1xi32>
    %add3A_272 = arith.addi %broadcast_in_dim3A_264, %add3A_271 : vector<8x1xi32>
    %concatenate3A = tpu.concatenate %add3A_27, %add3A_62, %add3A_97, %add3A_132, %add3A_167, %add3A_202, %add3A_237, %add3A_272 in 1 : vector<8x1xi32>, vector<8x1xi32>, vector<8x1xi32>, vector<8x1xi32>, vector<8x1xi32>, vector<8x1xi32>, vector<8x1xi32>, vector<8x1xi32> -> vector<8x8xi32>
    %broadcast_in_dim3A_273 = vector.shape_cast %concatenate3A : vector<8x8xi32> to vector<1x8x8xi32>
    %swap3A = arith.constant 0 : index
    %swap3A_274 = arith.constant 0 : index
    %swap3A_275 = arith.constant 0 : index
    %swap3A_276 = vector.load %arg3[%swap3A, %swap3A_274, %swap3A_275] : memref<1x8x8xi32, #tpu.memory_space<vmem>>, vector<1x8x8xi32>
    tpu.vector_store %arg3[%swap3A, %swap3A_274, %swap3A_275], %broadcast_in_dim3A_273 {strides = array<i32>} : memref<1x8x8xi32, #tpu.memory_space<vmem>>, vector<1x8x8xi32>,
    return
  }
  func.func @transform_0(%arg0: i32) -> (i32, i32, i32) {
    %c0_i32 = arith.constant 0 : i32
    %c0_i32_0 = arith.constant 0 : i32
    %c0_i32_1 = arith.constant 0 : i32
    return %c0_i32, %arg0, %c0_i32_0 : i32, i32, i32
  }
  func.func @transform_1(%arg0: i32) -> (i32, i32, i32) {
    %c0_i32 = arith.constant 0 : i32
    %c0_i32_0 = arith.constant 0 : i32
    %c0_i32_1 = arith.constant 0 : i32
    return %arg0, %c0_i32, %c0_i32_0 : i32, i32, i32
  }
  func.func @transform_2(%arg0: i32) -> (i32, i32, i32) {
    %c0_i32 = arith.constant 0 : i32
    %c0_i32_0 = arith.constant 0 : i32
    %c0_i32_1 = arith.constant 0 : i32
    return %arg0, %c0_i32, %c0_i32_0 : i32, i32, i32
  }
}

module attributes {stable_mosaic.version = 14 : i64} {
  func.func @_matmul_bias_relu_kernel(%arg0: i32, %arg1: memref<192x2400xf32, #tpu.memory_space<vmem>>, %arg2: memref<2400x512xf32, #tpu.memory_space<vmem>>, %arg3: memref<192x1xf32, #tpu.memory_space<vmem>>, %arg4: memref<192x512xf32, #tpu.memory_space<vmem>>) attributes {dimension_semantics = [#tpu.dimension_semantics<arbitrary>], iteration_bounds = array<i64: 4>, scalar_prefetch = 0 : i64, scratch_operands = 0 : i64, tpu.core_type = #tpu.core_type<tc>, window_params = [{pipeline_mode = #tpu.pipeline_mode<synchronous>, transform_indices = @transform_0, window_bounds = array<i64: 192, 2400>}, {transform_indices = @transform_1, window_bounds = array<i64: 2400, 512>}, {pipeline_mode = #tpu.pipeline_mode<synchronous>, transform_indices = @transform_2, window_bounds = array<i64: 192, 1>}, {transform_indices = @transform_3, window_bounds = array<i64: 192, 512>}]} {
    %get3A = arith.constant 0 : index
    %get3A_0 = arith.constant 0 : index
    %get3A_1 = vector.load %arg1[%get3A, %get3A_0] : memref<192x2400xf32, #tpu.memory_space<vmem>>, vector<192x2400xf32>
    %convert_element_type3A = arith.truncf %get3A_1 : vector<192x2400xf32> to vector<192x2400xbf16>
    %get3A_2 = arith.constant 0 : index
    %get3A_3 = arith.constant 0 : index
    %get3A_4 = vector.load %arg2[%get3A_2, %get3A_3] : memref<2400x512xf32, #tpu.memory_space<vmem>>, vector<2400x512xf32>
    %convert_element_type3A_5 = arith.truncf %get3A_4 : vector<2400x512xf32> to vector<2400x512xbf16>
    %dot_general3A = arith.constant dense<0.000000e+00> : vector<192x512xf32>
    %dot_general3A_6 = tpu.matmul %convert_element_type3A, %convert_element_type3A_5, %dot_general3A {dimension_numbers = #tpu.dot_dimension_numbers<[1], [0], [0], [1], [0, 0, 1, 1], [], []>, transpose_lhs_hint = false} : vector<192x2400xbf16>, vector<2400x512xbf16>, vector<192x512xf32> -> vector<192x512xf32>
    %get3A_7 = arith.constant 0 : index
    %get3A_8 = arith.constant 0 : index
    %get3A_9 = vector.load %arg3[%get3A_7, %get3A_8] : memref<192x1xf32, #tpu.memory_space<vmem>>, vector<192x1xf32>
    %add3A = vector.broadcast %get3A_9 : vector<192x1xf32> to vector<192x512xf32>
    %add3A_10 = arith.addf %dot_general3A_6, %add3A : vector<192x512xf32>
    %max3A = arith.constant 0.000000e+00 : f32
    %max3A_11 = vector.broadcast %max3A : f32 to vector<192x512xf32>
    %max3A_12 = arith.maximumf %add3A_10, %max3A_11 : vector<192x512xf32>
    %swap3A = arith.constant 0 : index
    %swap3A_13 = arith.constant 0 : index
    %swap3A_14 = vector.load %arg4[%swap3A, %swap3A_13] : memref<192x512xf32, #tpu.memory_space<vmem>>, vector<192x512xf32>
    tpu.vector_store %arg4[%swap3A, %swap3A_13], %max3A_12 {strides = array<i32>} : memref<192x512xf32, #tpu.memory_space<vmem>>, vector<192x512xf32>,
    return
  }
  func.func @transform_0(%arg0: i32) -> (i32, i32) {
    %c0_i32 = arith.constant 0 : i32
    %c0_i32_0 = arith.constant 0 : i32
    %c0_i32_1 = arith.constant 0 : i32
    return %c0_i32, %c0_i32_0 : i32, i32
  }
  func.func @transform_1(%arg0: i32) -> (i32, i32) {
    %c0_i32 = arith.constant 0 : i32
    %c0_i32_0 = arith.constant 0 : i32
    return %c0_i32, %arg0 : i32, i32
  }
  func.func @transform_2(%arg0: i32) -> (i32, i32) {
    %c0_i32 = arith.constant 0 : i32
    %c0_i32_0 = arith.constant 0 : i32
    %c0_i32_1 = arith.constant 0 : i32
    return %c0_i32, %c0_i32_0 : i32, i32
  }
  func.func @transform_3(%arg0: i32) -> (i32, i32) {
    %c0_i32 = arith.constant 0 : i32
    %c0_i32_0 = arith.constant 0 : i32
    return %c0_i32, %arg0 : i32, i32
  }
}

module attributes {stable_mosaic.version = 14 : i64} {
  func.func @_pool_norm_kernel(%arg0: memref<4x8x192x64xf32, #tpu.memory_space<vmem>>, %arg1: memref<8x192x64xf32, #tpu.memory_space<vmem>>) attributes {dimension_semantics = [], scalar_prefetch = 0 : i64, scratch_operands = 0 : i64, tpu.core_type = #tpu.core_type<tc>} {
    %get3A = arith.constant 0 : index
    %get3A_0 = arith.constant 0 : index
    %get3A_1 = arith.constant 0 : index
    %get3A_2 = arith.constant 0 : index
    %get3A_3 = vector.load %arg0[%get3A, %get3A_0, %get3A_1, %get3A_2] : memref<4x8x192x64xf32, #tpu.memory_space<vmem>>, vector<4x8x192x64xf32>
    %slice3A = vector.extract_strided_slice %get3A_3 {offsets = [0, 0, 0, 0], sizes = [1, 8, 192, 64], strides = [1, 1, 1, 1]} : vector<4x8x192x64xf32> to vector<1x8x192x64xf32>
    %squeeze3A = vector.shape_cast %slice3A : vector<1x8x192x64xf32> to vector<8x192x64xf32>
    %slice3A_4 = vector.extract_strided_slice %get3A_3 {offsets = [1, 0, 0, 0], sizes = [1, 8, 192, 64], strides = [1, 1, 1, 1]} : vector<4x8x192x64xf32> to vector<1x8x192x64xf32>
    %squeeze3A_5 = vector.shape_cast %slice3A_4 : vector<1x8x192x64xf32> to vector<8x192x64xf32>
    %max3A = arith.maximumf %squeeze3A, %squeeze3A_5 : vector<8x192x64xf32>
    %slice3A_6 = vector.extract_strided_slice %get3A_3 {offsets = [2, 0, 0, 0], sizes = [1, 8, 192, 64], strides = [1, 1, 1, 1]} : vector<4x8x192x64xf32> to vector<1x8x192x64xf32>
    %squeeze3A_7 = vector.shape_cast %slice3A_6 : vector<1x8x192x64xf32> to vector<8x192x64xf32>
    %slice3A_8 = vector.extract_strided_slice %get3A_3 {offsets = [3, 0, 0, 0], sizes = [1, 8, 192, 64], strides = [1, 1, 1, 1]} : vector<4x8x192x64xf32> to vector<1x8x192x64xf32>
    %squeeze3A_9 = vector.shape_cast %slice3A_8 : vector<1x8x192x64xf32> to vector<8x192x64xf32>
    %max3A_10 = arith.maximumf %squeeze3A_7, %squeeze3A_9 : vector<8x192x64xf32>
    %max3A_11 = arith.maximumf %max3A, %max3A_10 : vector<8x192x64xf32>
    %mul3A = arith.mulf %max3A_11, %max3A_11 : vector<8x192x64xf32>
    %reduce_sum3A = arith.constant dense<0.000000e+00> : vector<8x192xf32>
    %reduce_sum3A_12 = vector.multi_reduction <add>, %mul3A, %reduce_sum3A [2] : vector<8x192x64xf32> to vector<8x192xf32>
    %broadcast_in_dim3A = vector.shape_cast %reduce_sum3A_12 : vector<8x192xf32> to vector<8x192x1xf32>
    %sqrt3A = math.sqrt %broadcast_in_dim3A : vector<8x192x1xf32>
    %max3A_13 = arith.constant 9.99999996E-13 : f32
    %max3A_14 = vector.broadcast %max3A_13 : f32 to vector<8x192x1xf32>
    %max3A_15 = arith.maximumf %sqrt3A, %max3A_14 : vector<8x192x1xf32>
    %div3A = vector.broadcast %max3A_15 : vector<8x192x1xf32> to vector<8x192x64xf32>
    %div3A_16 = arith.divf %max3A_11, %div3A : vector<8x192x64xf32>
    %swap3A = arith.constant 0 : index
    %swap3A_17 = arith.constant 0 : index
    %swap3A_18 = arith.constant 0 : index
    %swap3A_19 = vector.load %arg1[%swap3A, %swap3A_17, %swap3A_18] : memref<8x192x64xf32, #tpu.memory_space<vmem>>, vector<8x192x64xf32>
    tpu.vector_store %arg1[%swap3A, %swap3A_17, %swap3A_18], %div3A_16 {strides = array<i32>} : memref<8x192x64xf32, #tpu.memory_space<vmem>>, vector<8x192x64xf32>,
    return
  }
}

module attributes {stable_mosaic.version = 14 : i64} {
  func.func @_score_argmin_kernel(%arg0: i32, %arg1: memref<8x16x64xf32, #tpu.memory_space<vmem>>, %arg2: memref<16x512x64xf32, #tpu.memory_space<vmem>>, %arg3: memref<1x8x16xi32, #tpu.memory_space<vmem>>) attributes {dimension_semantics = [#tpu.dimension_semantics<arbitrary>], iteration_bounds = array<i64: 12>, scalar_prefetch = 0 : i64, scratch_operands = 0 : i64, tpu.core_type = #tpu.core_type<tc>, window_params = [{transform_indices = @transform_0, window_bounds = array<i64: 8, 16, 64>}, {transform_indices = @transform_1, window_bounds = array<i64: 16, 512, 64>}, {transform_indices = @transform_2, window_bounds = array<i64: 1, 8, 16>}]} {
    %get3A = arith.constant 0 : index
    %get3A_0 = arith.constant 0 : index
    %get3A_1 = arith.constant 0 : index
    %get3A_2 = vector.load %arg1[%get3A, %get3A_0, %get3A_1] : memref<8x16x64xf32, #tpu.memory_space<vmem>>, vector<8x16x64xf32>
    %get3A_3 = arith.constant 0 : index
    %get3A_4 = arith.constant 0 : index
    %get3A_5 = arith.constant 0 : index
    %get3A_6 = vector.load %arg2[%get3A_3, %get3A_4, %get3A_5] : memref<16x512x64xf32, #tpu.memory_space<vmem>>, vector<16x512x64xf32>
    %slice3A = vector.extract_strided_slice %get3A_6 {offsets = [0, 0, 0], sizes = [1, 512, 64], strides = [1, 1, 1]} : vector<16x512x64xf32> to vector<1x512x64xf32>
    %squeeze3A = vector.shape_cast %slice3A : vector<1x512x64xf32> to vector<512x64xf32>
    %mul3A = arith.mulf %squeeze3A, %squeeze3A : vector<512x64xf32>
    %reduce_sum3A = arith.constant dense<0.000000e+00> : vector<512xf32>
    %reduce_sum3A_7 = vector.multi_reduction <add>, %mul3A, %reduce_sum3A [1] : vector<512x64xf32> to vector<512xf32>
    %reshape3A = vector.shape_cast %reduce_sum3A_7 : vector<512xf32> to vector<1x512xf32>
    %slice3A_8 = vector.extract_strided_slice %get3A_2 {offsets = [0, 0, 0], sizes = [8, 1, 64], strides = [1, 1, 1]} : vector<8x16x64xf32> to vector<8x1x64xf32>
    %squeeze3A_9 = vector.shape_cast %slice3A_8 : vector<8x1x64xf32> to vector<8x64xf32>
    %dot_general3A = arith.constant dense<0.000000e+00> : vector<8x512xf32>
    %dot_general3A_10 = tpu.matmul %squeeze3A_9, %squeeze3A, %dot_general3A {dimension_numbers = #tpu.dot_dimension_numbers<[1], [1], [0], [0], [0, 0, 1, 0], [], []>, precision = #tpu.contract_precision<fp32>, transpose_lhs_hint = false} : vector<8x64xf32>, vector<512x64xf32>, vector<8x512xf32> -> vector<8x512xf32>
    %mul3A_11 = arith.constant 2.000000e+00 : f32
    %mul3A_12 = vector.broadcast %mul3A_11 : f32 to vector<8x512xf32>
    %mul3A_13 = arith.mulf %mul3A_12, %dot_general3A_10 : vector<8x512xf32>
    %sub3A = vector.broadcast %reshape3A : vector<1x512xf32> to vector<8x512xf32>
    %sub3A_14 = arith.subf %sub3A, %mul3A_13 : vector<8x512xf32>
    %reduce_min3A = arith.constant dense<0x7F800000> : vector<8xf32>
    %reduce_min3A_15 = vector.multi_reduction <minimumf>, %sub3A_14, %reduce_min3A [1] : vector<8x512xf32> to vector<8xf32>
    %broadcast_in_dim3A = vector.shape_cast %reduce_min3A_15 : vector<8xf32> to vector<8x1xf32>
    %iota3A = tpu.iota {dimensions = array<i32: 1>} : vector<8x512xi32>
    %eq3A = vector.broadcast %broadcast_in_dim3A : vector<8x1xf32> to vector<8x512xf32>
    %eq3A_16 = arith.cmpf oeq, %sub3A_14, %eq3A : vector<8x512xf32>
    %jit3A = arith.constant 512 : i32
    %broadcast_in_dim3A_17 = vector.broadcast %jit3A : i32 to vector<8x512xi32>
    %select_n3A = arith.select %eq3A_16, %iota3A, %broadcast_in_dim3A_17 : vector<8x512xi1>, vector<8x512xi32>
    %reduce_min3A_18 = arith.constant dense<2147483647> : vector<8xi32>
    %reduce_min3A_19 = vector.multi_reduction <minsi>, %select_n3A, %reduce_min3A_18 [1] : vector<8x512xi32> to vector<8xi32>
    %broadcast_in_dim3A_20 = vector.shape_cast %reduce_min3A_19 : vector<8xi32> to vector<8x1xi32>
    %mul3A_21 = arith.constant 16 : i32
    %mul3A_22 = arith.muli %arg0, %mul3A_21 : i32
    %add3A = arith.constant 0 : i32
    %add3A_23 = arith.addi %mul3A_22, %add3A : i32
    %mul3A_24 = arith.constant 512 : i32
    %mul3A_25 = arith.muli %add3A_23, %mul3A_24 : i32
    %add3A_26 = vector.broadcast %mul3A_25 : i32 to vector<8x1xi32>
    %add3A_27 = arith.addi %broadcast_in_dim3A_20, %add3A_26 : vector<8x1xi32>
    %slice3A_28 = vector.extract_strided_slice %get3A_6 {offsets = [1, 0, 0], sizes = [1, 512, 64], strides = [1, 1, 1]} : vector<16x512x64xf32> to vector<1x512x64xf32>
    %squeeze3A_29 = vector.shape_cast %slice3A_28 : vector<1x512x64xf32> to vector<512x64xf32>
    %mul3A_30 = arith.mulf %squeeze3A_29, %squeeze3A_29 : vector<512x64xf32>
    %reduce_sum3A_31 = arith.constant dense<0.000000e+00> : vector<512xf32>
    %reduce_sum3A_32 = vector.multi_reduction <add>, %mul3A_30, %reduce_sum3A_31 [1] : vector<512x64xf32> to vector<512xf32>
    %reshape3A_33 = vector.shape_cast %reduce_sum3A_32 : vector<512xf32> to vector<1x512xf32>
    %slice3A_34 = vector.extract_strided_slice %get3A_2 {offsets = [0, 1, 0], sizes = [8, 1, 64], strides = [1, 1, 1]} : vector<8x16x64xf32> to vector<8x1x64xf32>
    %squeeze3A_35 = vector.shape_cast %slice3A_34 : vector<8x1x64xf32> to vector<8x64xf32>
    %dot_general3A_36 = arith.constant dense<0.000000e+00> : vector<8x512xf32>
    %dot_general3A_37 = tpu.matmul %squeeze3A_35, %squeeze3A_29, %dot_general3A_36 {dimension_numbers = #tpu.dot_dimension_numbers<[1], [1], [0], [0], [0, 0, 1, 0], [], []>, precision = #tpu.contract_precision<fp32>, transpose_lhs_hint = false} : vector<8x64xf32>, vector<512x64xf32>, vector<8x512xf32> -> vector<8x512xf32>
    %mul3A_38 = arith.constant 2.000000e+00 : f32
    %mul3A_39 = vector.broadcast %mul3A_38 : f32 to vector<8x512xf32>
    %mul3A_40 = arith.mulf %mul3A_39, %dot_general3A_37 : vector<8x512xf32>
    %sub3A_41 = vector.broadcast %reshape3A_33 : vector<1x512xf32> to vector<8x512xf32>
    %sub3A_42 = arith.subf %sub3A_41, %mul3A_40 : vector<8x512xf32>
    %reduce_min3A_43 = arith.constant dense<0x7F800000> : vector<8xf32>
    %reduce_min3A_44 = vector.multi_reduction <minimumf>, %sub3A_42, %reduce_min3A_43 [1] : vector<8x512xf32> to vector<8xf32>
    %broadcast_in_dim3A_45 = vector.shape_cast %reduce_min3A_44 : vector<8xf32> to vector<8x1xf32>
    %iota3A_46 = tpu.iota {dimensions = array<i32: 1>} : vector<8x512xi32>
    %eq3A_47 = vector.broadcast %broadcast_in_dim3A_45 : vector<8x1xf32> to vector<8x512xf32>
    %eq3A_48 = arith.cmpf oeq, %sub3A_42, %eq3A_47 : vector<8x512xf32>
    %jit3A_49 = arith.constant 512 : i32
    %broadcast_in_dim3A_50 = vector.broadcast %jit3A_49 : i32 to vector<8x512xi32>
    %select_n3A_51 = arith.select %eq3A_48, %iota3A_46, %broadcast_in_dim3A_50 : vector<8x512xi1>, vector<8x512xi32>
    %reduce_min3A_52 = arith.constant dense<2147483647> : vector<8xi32>
    %reduce_min3A_53 = vector.multi_reduction <minsi>, %select_n3A_51, %reduce_min3A_52 [1] : vector<8x512xi32> to vector<8xi32>
    %broadcast_in_dim3A_54 = vector.shape_cast %reduce_min3A_53 : vector<8xi32> to vector<8x1xi32>
    %mul3A_55 = arith.constant 16 : i32
    %mul3A_56 = arith.muli %arg0, %mul3A_55 : i32
    %add3A_57 = arith.constant 1 : i32
    %add3A_58 = arith.addi %mul3A_56, %add3A_57 : i32
    %mul3A_59 = arith.constant 512 : i32
    %mul3A_60 = arith.muli %add3A_58, %mul3A_59 : i32
    %add3A_61 = vector.broadcast %mul3A_60 : i32 to vector<8x1xi32>
    %add3A_62 = arith.addi %broadcast_in_dim3A_54, %add3A_61 : vector<8x1xi32>
    %slice3A_63 = vector.extract_strided_slice %get3A_6 {offsets = [2, 0, 0], sizes = [1, 512, 64], strides = [1, 1, 1]} : vector<16x512x64xf32> to vector<1x512x64xf32>
    %squeeze3A_64 = vector.shape_cast %slice3A_63 : vector<1x512x64xf32> to vector<512x64xf32>
    %mul3A_65 = arith.mulf %squeeze3A_64, %squeeze3A_64 : vector<512x64xf32>
    %reduce_sum3A_66 = arith.constant dense<0.000000e+00> : vector<512xf32>
    %reduce_sum3A_67 = vector.multi_reduction <add>, %mul3A_65, %reduce_sum3A_66 [1] : vector<512x64xf32> to vector<512xf32>
    %reshape3A_68 = vector.shape_cast %reduce_sum3A_67 : vector<512xf32> to vector<1x512xf32>
    %slice3A_69 = vector.extract_strided_slice %get3A_2 {offsets = [0, 2, 0], sizes = [8, 1, 64], strides = [1, 1, 1]} : vector<8x16x64xf32> to vector<8x1x64xf32>
    %squeeze3A_70 = vector.shape_cast %slice3A_69 : vector<8x1x64xf32> to vector<8x64xf32>
    %dot_general3A_71 = arith.constant dense<0.000000e+00> : vector<8x512xf32>
    %dot_general3A_72 = tpu.matmul %squeeze3A_70, %squeeze3A_64, %dot_general3A_71 {dimension_numbers = #tpu.dot_dimension_numbers<[1], [1], [0], [0], [0, 0, 1, 0], [], []>, precision = #tpu.contract_precision<fp32>, transpose_lhs_hint = false} : vector<8x64xf32>, vector<512x64xf32>, vector<8x512xf32> -> vector<8x512xf32>
    %mul3A_73 = arith.constant 2.000000e+00 : f32
    %mul3A_74 = vector.broadcast %mul3A_73 : f32 to vector<8x512xf32>
    %mul3A_75 = arith.mulf %mul3A_74, %dot_general3A_72 : vector<8x512xf32>
    %sub3A_76 = vector.broadcast %reshape3A_68 : vector<1x512xf32> to vector<8x512xf32>
    %sub3A_77 = arith.subf %sub3A_76, %mul3A_75 : vector<8x512xf32>
    %reduce_min3A_78 = arith.constant dense<0x7F800000> : vector<8xf32>
    %reduce_min3A_79 = vector.multi_reduction <minimumf>, %sub3A_77, %reduce_min3A_78 [1] : vector<8x512xf32> to vector<8xf32>
    %broadcast_in_dim3A_80 = vector.shape_cast %reduce_min3A_79 : vector<8xf32> to vector<8x1xf32>
    %iota3A_81 = tpu.iota {dimensions = array<i32: 1>} : vector<8x512xi32>
    %eq3A_82 = vector.broadcast %broadcast_in_dim3A_80 : vector<8x1xf32> to vector<8x512xf32>
    %eq3A_83 = arith.cmpf oeq, %sub3A_77, %eq3A_82 : vector<8x512xf32>
    %jit3A_84 = arith.constant 512 : i32
    %broadcast_in_dim3A_85 = vector.broadcast %jit3A_84 : i32 to vector<8x512xi32>
    %select_n3A_86 = arith.select %eq3A_83, %iota3A_81, %broadcast_in_dim3A_85 : vector<8x512xi1>, vector<8x512xi32>
    %reduce_min3A_87 = arith.constant dense<2147483647> : vector<8xi32>
    %reduce_min3A_88 = vector.multi_reduction <minsi>, %select_n3A_86, %reduce_min3A_87 [1] : vector<8x512xi32> to vector<8xi32>
    %broadcast_in_dim3A_89 = vector.shape_cast %reduce_min3A_88 : vector<8xi32> to vector<8x1xi32>
    %mul3A_90 = arith.constant 16 : i32
    %mul3A_91 = arith.muli %arg0, %mul3A_90 : i32
    %add3A_92 = arith.constant 2 : i32
    %add3A_93 = arith.addi %mul3A_91, %add3A_92 : i32
    %mul3A_94 = arith.constant 512 : i32
    %mul3A_95 = arith.muli %add3A_93, %mul3A_94 : i32
    %add3A_96 = vector.broadcast %mul3A_95 : i32 to vector<8x1xi32>
    %add3A_97 = arith.addi %broadcast_in_dim3A_89, %add3A_96 : vector<8x1xi32>
    %slice3A_98 = vector.extract_strided_slice %get3A_6 {offsets = [3, 0, 0], sizes = [1, 512, 64], strides = [1, 1, 1]} : vector<16x512x64xf32> to vector<1x512x64xf32>
    %squeeze3A_99 = vector.shape_cast %slice3A_98 : vector<1x512x64xf32> to vector<512x64xf32>
    %mul3A_100 = arith.mulf %squeeze3A_99, %squeeze3A_99 : vector<512x64xf32>
    %reduce_sum3A_101 = arith.constant dense<0.000000e+00> : vector<512xf32>
    %reduce_sum3A_102 = vector.multi_reduction <add>, %mul3A_100, %reduce_sum3A_101 [1] : vector<512x64xf32> to vector<512xf32>
    %reshape3A_103 = vector.shape_cast %reduce_sum3A_102 : vector<512xf32> to vector<1x512xf32>
    %slice3A_104 = vector.extract_strided_slice %get3A_2 {offsets = [0, 3, 0], sizes = [8, 1, 64], strides = [1, 1, 1]} : vector<8x16x64xf32> to vector<8x1x64xf32>
    %squeeze3A_105 = vector.shape_cast %slice3A_104 : vector<8x1x64xf32> to vector<8x64xf32>
    %dot_general3A_106 = arith.constant dense<0.000000e+00> : vector<8x512xf32>
    %dot_general3A_107 = tpu.matmul %squeeze3A_105, %squeeze3A_99, %dot_general3A_106 {dimension_numbers = #tpu.dot_dimension_numbers<[1], [1], [0], [0], [0, 0, 1, 0], [], []>, precision = #tpu.contract_precision<fp32>, transpose_lhs_hint = false} : vector<8x64xf32>, vector<512x64xf32>, vector<8x512xf32> -> vector<8x512xf32>
    %mul3A_108 = arith.constant 2.000000e+00 : f32
    %mul3A_109 = vector.broadcast %mul3A_108 : f32 to vector<8x512xf32>
    %mul3A_110 = arith.mulf %mul3A_109, %dot_general3A_107 : vector<8x512xf32>
    %sub3A_111 = vector.broadcast %reshape3A_103 : vector<1x512xf32> to vector<8x512xf32>
    %sub3A_112 = arith.subf %sub3A_111, %mul3A_110 : vector<8x512xf32>
    %reduce_min3A_113 = arith.constant dense<0x7F800000> : vector<8xf32>
    %reduce_min3A_114 = vector.multi_reduction <minimumf>, %sub3A_112, %reduce_min3A_113 [1] : vector<8x512xf32> to vector<8xf32>
    %broadcast_in_dim3A_115 = vector.shape_cast %reduce_min3A_114 : vector<8xf32> to vector<8x1xf32>
    %iota3A_116 = tpu.iota {dimensions = array<i32: 1>} : vector<8x512xi32>
    %eq3A_117 = vector.broadcast %broadcast_in_dim3A_115 : vector<8x1xf32> to vector<8x512xf32>
    %eq3A_118 = arith.cmpf oeq, %sub3A_112, %eq3A_117 : vector<8x512xf32>
    %jit3A_119 = arith.constant 512 : i32
    %broadcast_in_dim3A_120 = vector.broadcast %jit3A_119 : i32 to vector<8x512xi32>
    %select_n3A_121 = arith.select %eq3A_118, %iota3A_116, %broadcast_in_dim3A_120 : vector<8x512xi1>, vector<8x512xi32>
    %reduce_min3A_122 = arith.constant dense<2147483647> : vector<8xi32>
    %reduce_min3A_123 = vector.multi_reduction <minsi>, %select_n3A_121, %reduce_min3A_122 [1] : vector<8x512xi32> to vector<8xi32>
    %broadcast_in_dim3A_124 = vector.shape_cast %reduce_min3A_123 : vector<8xi32> to vector<8x1xi32>
    %mul3A_125 = arith.constant 16 : i32
    %mul3A_126 = arith.muli %arg0, %mul3A_125 : i32
    %add3A_127 = arith.constant 3 : i32
    %add3A_128 = arith.addi %mul3A_126, %add3A_127 : i32
    %mul3A_129 = arith.constant 512 : i32
    %mul3A_130 = arith.muli %add3A_128, %mul3A_129 : i32
    %add3A_131 = vector.broadcast %mul3A_130 : i32 to vector<8x1xi32>
    %add3A_132 = arith.addi %broadcast_in_dim3A_124, %add3A_131 : vector<8x1xi32>
    %slice3A_133 = vector.extract_strided_slice %get3A_6 {offsets = [4, 0, 0], sizes = [1, 512, 64], strides = [1, 1, 1]} : vector<16x512x64xf32> to vector<1x512x64xf32>
    %squeeze3A_134 = vector.shape_cast %slice3A_133 : vector<1x512x64xf32> to vector<512x64xf32>
    %mul3A_135 = arith.mulf %squeeze3A_134, %squeeze3A_134 : vector<512x64xf32>
    %reduce_sum3A_136 = arith.constant dense<0.000000e+00> : vector<512xf32>
    %reduce_sum3A_137 = vector.multi_reduction <add>, %mul3A_135, %reduce_sum3A_136 [1] : vector<512x64xf32> to vector<512xf32>
    %reshape3A_138 = vector.shape_cast %reduce_sum3A_137 : vector<512xf32> to vector<1x512xf32>
    %slice3A_139 = vector.extract_strided_slice %get3A_2 {offsets = [0, 4, 0], sizes = [8, 1, 64], strides = [1, 1, 1]} : vector<8x16x64xf32> to vector<8x1x64xf32>
    %squeeze3A_140 = vector.shape_cast %slice3A_139 : vector<8x1x64xf32> to vector<8x64xf32>
    %dot_general3A_141 = arith.constant dense<0.000000e+00> : vector<8x512xf32>
    %dot_general3A_142 = tpu.matmul %squeeze3A_140, %squeeze3A_134, %dot_general3A_141 {dimension_numbers = #tpu.dot_dimension_numbers<[1], [1], [0], [0], [0, 0, 1, 0], [], []>, precision = #tpu.contract_precision<fp32>, transpose_lhs_hint = false} : vector<8x64xf32>, vector<512x64xf32>, vector<8x512xf32> -> vector<8x512xf32>
    %mul3A_143 = arith.constant 2.000000e+00 : f32
    %mul3A_144 = vector.broadcast %mul3A_143 : f32 to vector<8x512xf32>
    %mul3A_145 = arith.mulf %mul3A_144, %dot_general3A_142 : vector<8x512xf32>
    %sub3A_146 = vector.broadcast %reshape3A_138 : vector<1x512xf32> to vector<8x512xf32>
    %sub3A_147 = arith.subf %sub3A_146, %mul3A_145 : vector<8x512xf32>
    %reduce_min3A_148 = arith.constant dense<0x7F800000> : vector<8xf32>
    %reduce_min3A_149 = vector.multi_reduction <minimumf>, %sub3A_147, %reduce_min3A_148 [1] : vector<8x512xf32> to vector<8xf32>
    %broadcast_in_dim3A_150 = vector.shape_cast %reduce_min3A_149 : vector<8xf32> to vector<8x1xf32>
    %iota3A_151 = tpu.iota {dimensions = array<i32: 1>} : vector<8x512xi32>
    %eq3A_152 = vector.broadcast %broadcast_in_dim3A_150 : vector<8x1xf32> to vector<8x512xf32>
    %eq3A_153 = arith.cmpf oeq, %sub3A_147, %eq3A_152 : vector<8x512xf32>
    %jit3A_154 = arith.constant 512 : i32
    %broadcast_in_dim3A_155 = vector.broadcast %jit3A_154 : i32 to vector<8x512xi32>
    %select_n3A_156 = arith.select %eq3A_153, %iota3A_151, %broadcast_in_dim3A_155 : vector<8x512xi1>, vector<8x512xi32>
    %reduce_min3A_157 = arith.constant dense<2147483647> : vector<8xi32>
    %reduce_min3A_158 = vector.multi_reduction <minsi>, %select_n3A_156, %reduce_min3A_157 [1] : vector<8x512xi32> to vector<8xi32>
    %broadcast_in_dim3A_159 = vector.shape_cast %reduce_min3A_158 : vector<8xi32> to vector<8x1xi32>
    %mul3A_160 = arith.constant 16 : i32
    %mul3A_161 = arith.muli %arg0, %mul3A_160 : i32
    %add3A_162 = arith.constant 4 : i32
    %add3A_163 = arith.addi %mul3A_161, %add3A_162 : i32
    %mul3A_164 = arith.constant 512 : i32
    %mul3A_165 = arith.muli %add3A_163, %mul3A_164 : i32
    %add3A_166 = vector.broadcast %mul3A_165 : i32 to vector<8x1xi32>
    %add3A_167 = arith.addi %broadcast_in_dim3A_159, %add3A_166 : vector<8x1xi32>
    %slice3A_168 = vector.extract_strided_slice %get3A_6 {offsets = [5, 0, 0], sizes = [1, 512, 64], strides = [1, 1, 1]} : vector<16x512x64xf32> to vector<1x512x64xf32>
    %squeeze3A_169 = vector.shape_cast %slice3A_168 : vector<1x512x64xf32> to vector<512x64xf32>
    %mul3A_170 = arith.mulf %squeeze3A_169, %squeeze3A_169 : vector<512x64xf32>
    %reduce_sum3A_171 = arith.constant dense<0.000000e+00> : vector<512xf32>
    %reduce_sum3A_172 = vector.multi_reduction <add>, %mul3A_170, %reduce_sum3A_171 [1] : vector<512x64xf32> to vector<512xf32>
    %reshape3A_173 = vector.shape_cast %reduce_sum3A_172 : vector<512xf32> to vector<1x512xf32>
    %slice3A_174 = vector.extract_strided_slice %get3A_2 {offsets = [0, 5, 0], sizes = [8, 1, 64], strides = [1, 1, 1]} : vector<8x16x64xf32> to vector<8x1x64xf32>
    %squeeze3A_175 = vector.shape_cast %slice3A_174 : vector<8x1x64xf32> to vector<8x64xf32>
    %dot_general3A_176 = arith.constant dense<0.000000e+00> : vector<8x512xf32>
    %dot_general3A_177 = tpu.matmul %squeeze3A_175, %squeeze3A_169, %dot_general3A_176 {dimension_numbers = #tpu.dot_dimension_numbers<[1], [1], [0], [0], [0, 0, 1, 0], [], []>, precision = #tpu.contract_precision<fp32>, transpose_lhs_hint = false} : vector<8x64xf32>, vector<512x64xf32>, vector<8x512xf32> -> vector<8x512xf32>
    %mul3A_178 = arith.constant 2.000000e+00 : f32
    %mul3A_179 = vector.broadcast %mul3A_178 : f32 to vector<8x512xf32>
    %mul3A_180 = arith.mulf %mul3A_179, %dot_general3A_177 : vector<8x512xf32>
    %sub3A_181 = vector.broadcast %reshape3A_173 : vector<1x512xf32> to vector<8x512xf32>
    %sub3A_182 = arith.subf %sub3A_181, %mul3A_180 : vector<8x512xf32>
    %reduce_min3A_183 = arith.constant dense<0x7F800000> : vector<8xf32>
    %reduce_min3A_184 = vector.multi_reduction <minimumf>, %sub3A_182, %reduce_min3A_183 [1] : vector<8x512xf32> to vector<8xf32>
    %broadcast_in_dim3A_185 = vector.shape_cast %reduce_min3A_184 : vector<8xf32> to vector<8x1xf32>
    %iota3A_186 = tpu.iota {dimensions = array<i32: 1>} : vector<8x512xi32>
    %eq3A_187 = vector.broadcast %broadcast_in_dim3A_185 : vector<8x1xf32> to vector<8x512xf32>
    %eq3A_188 = arith.cmpf oeq, %sub3A_182, %eq3A_187 : vector<8x512xf32>
    %jit3A_189 = arith.constant 512 : i32
    %broadcast_in_dim3A_190 = vector.broadcast %jit3A_189 : i32 to vector<8x512xi32>
    %select_n3A_191 = arith.select %eq3A_188, %iota3A_186, %broadcast_in_dim3A_190 : vector<8x512xi1>, vector<8x512xi32>
    %reduce_min3A_192 = arith.constant dense<2147483647> : vector<8xi32>
    %reduce_min3A_193 = vector.multi_reduction <minsi>, %select_n3A_191, %reduce_min3A_192 [1] : vector<8x512xi32> to vector<8xi32>
    %broadcast_in_dim3A_194 = vector.shape_cast %reduce_min3A_193 : vector<8xi32> to vector<8x1xi32>
    %mul3A_195 = arith.constant 16 : i32
    %mul3A_196 = arith.muli %arg0, %mul3A_195 : i32
    %add3A_197 = arith.constant 5 : i32
    %add3A_198 = arith.addi %mul3A_196, %add3A_197 : i32
    %mul3A_199 = arith.constant 512 : i32
    %mul3A_200 = arith.muli %add3A_198, %mul3A_199 : i32
    %add3A_201 = vector.broadcast %mul3A_200 : i32 to vector<8x1xi32>
    %add3A_202 = arith.addi %broadcast_in_dim3A_194, %add3A_201 : vector<8x1xi32>
    %slice3A_203 = vector.extract_strided_slice %get3A_6 {offsets = [6, 0, 0], sizes = [1, 512, 64], strides = [1, 1, 1]} : vector<16x512x64xf32> to vector<1x512x64xf32>
    %squeeze3A_204 = vector.shape_cast %slice3A_203 : vector<1x512x64xf32> to vector<512x64xf32>
    %mul3A_205 = arith.mulf %squeeze3A_204, %squeeze3A_204 : vector<512x64xf32>
    %reduce_sum3A_206 = arith.constant dense<0.000000e+00> : vector<512xf32>
    %reduce_sum3A_207 = vector.multi_reduction <add>, %mul3A_205, %reduce_sum3A_206 [1] : vector<512x64xf32> to vector<512xf32>
    %reshape3A_208 = vector.shape_cast %reduce_sum3A_207 : vector<512xf32> to vector<1x512xf32>
    %slice3A_209 = vector.extract_strided_slice %get3A_2 {offsets = [0, 6, 0], sizes = [8, 1, 64], strides = [1, 1, 1]} : vector<8x16x64xf32> to vector<8x1x64xf32>
    %squeeze3A_210 = vector.shape_cast %slice3A_209 : vector<8x1x64xf32> to vector<8x64xf32>
    %dot_general3A_211 = arith.constant dense<0.000000e+00> : vector<8x512xf32>
    %dot_general3A_212 = tpu.matmul %squeeze3A_210, %squeeze3A_204, %dot_general3A_211 {dimension_numbers = #tpu.dot_dimension_numbers<[1], [1], [0], [0], [0, 0, 1, 0], [], []>, precision = #tpu.contract_precision<fp32>, transpose_lhs_hint = false} : vector<8x64xf32>, vector<512x64xf32>, vector<8x512xf32> -> vector<8x512xf32>
    %mul3A_213 = arith.constant 2.000000e+00 : f32
    %mul3A_214 = vector.broadcast %mul3A_213 : f32 to vector<8x512xf32>
    %mul3A_215 = arith.mulf %mul3A_214, %dot_general3A_212 : vector<8x512xf32>
    %sub3A_216 = vector.broadcast %reshape3A_208 : vector<1x512xf32> to vector<8x512xf32>
    %sub3A_217 = arith.subf %sub3A_216, %mul3A_215 : vector<8x512xf32>
    %reduce_min3A_218 = arith.constant dense<0x7F800000> : vector<8xf32>
    %reduce_min3A_219 = vector.multi_reduction <minimumf>, %sub3A_217, %reduce_min3A_218 [1] : vector<8x512xf32> to vector<8xf32>
    %broadcast_in_dim3A_220 = vector.shape_cast %reduce_min3A_219 : vector<8xf32> to vector<8x1xf32>
    %iota3A_221 = tpu.iota {dimensions = array<i32: 1>} : vector<8x512xi32>
    %eq3A_222 = vector.broadcast %broadcast_in_dim3A_220 : vector<8x1xf32> to vector<8x512xf32>
    %eq3A_223 = arith.cmpf oeq, %sub3A_217, %eq3A_222 : vector<8x512xf32>
    %jit3A_224 = arith.constant 512 : i32
    %broadcast_in_dim3A_225 = vector.broadcast %jit3A_224 : i32 to vector<8x512xi32>
    %select_n3A_226 = arith.select %eq3A_223, %iota3A_221, %broadcast_in_dim3A_225 : vector<8x512xi1>, vector<8x512xi32>
    %reduce_min3A_227 = arith.constant dense<2147483647> : vector<8xi32>
    %reduce_min3A_228 = vector.multi_reduction <minsi>, %select_n3A_226, %reduce_min3A_227 [1] : vector<8x512xi32> to vector<8xi32>
    %broadcast_in_dim3A_229 = vector.shape_cast %reduce_min3A_228 : vector<8xi32> to vector<8x1xi32>
    %mul3A_230 = arith.constant 16 : i32
    %mul3A_231 = arith.muli %arg0, %mul3A_230 : i32
    %add3A_232 = arith.constant 6 : i32
    %add3A_233 = arith.addi %mul3A_231, %add3A_232 : i32
    %mul3A_234 = arith.constant 512 : i32
    %mul3A_235 = arith.muli %add3A_233, %mul3A_234 : i32
    %add3A_236 = vector.broadcast %mul3A_235 : i32 to vector<8x1xi32>
    %add3A_237 = arith.addi %broadcast_in_dim3A_229, %add3A_236 : vector<8x1xi32>
    %slice3A_238 = vector.extract_strided_slice %get3A_6 {offsets = [7, 0, 0], sizes = [1, 512, 64], strides = [1, 1, 1]} : vector<16x512x64xf32> to vector<1x512x64xf32>
    %squeeze3A_239 = vector.shape_cast %slice3A_238 : vector<1x512x64xf32> to vector<512x64xf32>
    %mul3A_240 = arith.mulf %squeeze3A_239, %squeeze3A_239 : vector<512x64xf32>
    %reduce_sum3A_241 = arith.constant dense<0.000000e+00> : vector<512xf32>
    %reduce_sum3A_242 = vector.multi_reduction <add>, %mul3A_240, %reduce_sum3A_241 [1] : vector<512x64xf32> to vector<512xf32>
    %reshape3A_243 = vector.shape_cast %reduce_sum3A_242 : vector<512xf32> to vector<1x512xf32>
    %slice3A_244 = vector.extract_strided_slice %get3A_2 {offsets = [0, 7, 0], sizes = [8, 1, 64], strides = [1, 1, 1]} : vector<8x16x64xf32> to vector<8x1x64xf32>
    %squeeze3A_245 = vector.shape_cast %slice3A_244 : vector<8x1x64xf32> to vector<8x64xf32>
    %dot_general3A_246 = arith.constant dense<0.000000e+00> : vector<8x512xf32>
    %dot_general3A_247 = tpu.matmul %squeeze3A_245, %squeeze3A_239, %dot_general3A_246 {dimension_numbers = #tpu.dot_dimension_numbers<[1], [1], [0], [0], [0, 0, 1, 0], [], []>, precision = #tpu.contract_precision<fp32>, transpose_lhs_hint = false} : vector<8x64xf32>, vector<512x64xf32>, vector<8x512xf32> -> vector<8x512xf32>
    %mul3A_248 = arith.constant 2.000000e+00 : f32
    %mul3A_249 = vector.broadcast %mul3A_248 : f32 to vector<8x512xf32>
    %mul3A_250 = arith.mulf %mul3A_249, %dot_general3A_247 : vector<8x512xf32>
    %sub3A_251 = vector.broadcast %reshape3A_243 : vector<1x512xf32> to vector<8x512xf32>
    %sub3A_252 = arith.subf %sub3A_251, %mul3A_250 : vector<8x512xf32>
    %reduce_min3A_253 = arith.constant dense<0x7F800000> : vector<8xf32>
    %reduce_min3A_254 = vector.multi_reduction <minimumf>, %sub3A_252, %reduce_min3A_253 [1] : vector<8x512xf32> to vector<8xf32>
    %broadcast_in_dim3A_255 = vector.shape_cast %reduce_min3A_254 : vector<8xf32> to vector<8x1xf32>
    %iota3A_256 = tpu.iota {dimensions = array<i32: 1>} : vector<8x512xi32>
    %eq3A_257 = vector.broadcast %broadcast_in_dim3A_255 : vector<8x1xf32> to vector<8x512xf32>
    %eq3A_258 = arith.cmpf oeq, %sub3A_252, %eq3A_257 : vector<8x512xf32>
    %jit3A_259 = arith.constant 512 : i32
    %broadcast_in_dim3A_260 = vector.broadcast %jit3A_259 : i32 to vector<8x512xi32>
    %select_n3A_261 = arith.select %eq3A_258, %iota3A_256, %broadcast_in_dim3A_260 : vector<8x512xi1>, vector<8x512xi32>
    %reduce_min3A_262 = arith.constant dense<2147483647> : vector<8xi32>
    %reduce_min3A_263 = vector.multi_reduction <minsi>, %select_n3A_261, %reduce_min3A_262 [1] : vector<8x512xi32> to vector<8xi32>
    %broadcast_in_dim3A_264 = vector.shape_cast %reduce_min3A_263 : vector<8xi32> to vector<8x1xi32>
    %mul3A_265 = arith.constant 16 : i32
    %mul3A_266 = arith.muli %arg0, %mul3A_265 : i32
    %add3A_267 = arith.constant 7 : i32
    %add3A_268 = arith.addi %mul3A_266, %add3A_267 : i32
    %mul3A_269 = arith.constant 512 : i32
    %mul3A_270 = arith.muli %add3A_268, %mul3A_269 : i32
    %add3A_271 = vector.broadcast %mul3A_270 : i32 to vector<8x1xi32>
    %add3A_272 = arith.addi %broadcast_in_dim3A_264, %add3A_271 : vector<8x1xi32>
    %slice3A_273 = vector.extract_strided_slice %get3A_6 {offsets = [8, 0, 0], sizes = [1, 512, 64], strides = [1, 1, 1]} : vector<16x512x64xf32> to vector<1x512x64xf32>
    %squeeze3A_274 = vector.shape_cast %slice3A_273 : vector<1x512x64xf32> to vector<512x64xf32>
    %mul3A_275 = arith.mulf %squeeze3A_274, %squeeze3A_274 : vector<512x64xf32>
    %reduce_sum3A_276 = arith.constant dense<0.000000e+00> : vector<512xf32>
    %reduce_sum3A_277 = vector.multi_reduction <add>, %mul3A_275, %reduce_sum3A_276 [1] : vector<512x64xf32> to vector<512xf32>
    %reshape3A_278 = vector.shape_cast %reduce_sum3A_277 : vector<512xf32> to vector<1x512xf32>
    %slice3A_279 = vector.extract_strided_slice %get3A_2 {offsets = [0, 8, 0], sizes = [8, 1, 64], strides = [1, 1, 1]} : vector<8x16x64xf32> to vector<8x1x64xf32>
    %squeeze3A_280 = vector.shape_cast %slice3A_279 : vector<8x1x64xf32> to vector<8x64xf32>
    %dot_general3A_281 = arith.constant dense<0.000000e+00> : vector<8x512xf32>
    %dot_general3A_282 = tpu.matmul %squeeze3A_280, %squeeze3A_274, %dot_general3A_281 {dimension_numbers = #tpu.dot_dimension_numbers<[1], [1], [0], [0], [0, 0, 1, 0], [], []>, precision = #tpu.contract_precision<fp32>, transpose_lhs_hint = false} : vector<8x64xf32>, vector<512x64xf32>, vector<8x512xf32> -> vector<8x512xf32>
    %mul3A_283 = arith.constant 2.000000e+00 : f32
    %mul3A_284 = vector.broadcast %mul3A_283 : f32 to vector<8x512xf32>
    %mul3A_285 = arith.mulf %mul3A_284, %dot_general3A_282 : vector<8x512xf32>
    %sub3A_286 = vector.broadcast %reshape3A_278 : vector<1x512xf32> to vector<8x512xf32>
    %sub3A_287 = arith.subf %sub3A_286, %mul3A_285 : vector<8x512xf32>
    %reduce_min3A_288 = arith.constant dense<0x7F800000> : vector<8xf32>
    %reduce_min3A_289 = vector.multi_reduction <minimumf>, %sub3A_287, %reduce_min3A_288 [1] : vector<8x512xf32> to vector<8xf32>
    %broadcast_in_dim3A_290 = vector.shape_cast %reduce_min3A_289 : vector<8xf32> to vector<8x1xf32>
    %iota3A_291 = tpu.iota {dimensions = array<i32: 1>} : vector<8x512xi32>
    %eq3A_292 = vector.broadcast %broadcast_in_dim3A_290 : vector<8x1xf32> to vector<8x512xf32>
    %eq3A_293 = arith.cmpf oeq, %sub3A_287, %eq3A_292 : vector<8x512xf32>
    %jit3A_294 = arith.constant 512 : i32
    %broadcast_in_dim3A_295 = vector.broadcast %jit3A_294 : i32 to vector<8x512xi32>
    %select_n3A_296 = arith.select %eq3A_293, %iota3A_291, %broadcast_in_dim3A_295 : vector<8x512xi1>, vector<8x512xi32>
    %reduce_min3A_297 = arith.constant dense<2147483647> : vector<8xi32>
    %reduce_min3A_298 = vector.multi_reduction <minsi>, %select_n3A_296, %reduce_min3A_297 [1] : vector<8x512xi32> to vector<8xi32>
    %broadcast_in_dim3A_299 = vector.shape_cast %reduce_min3A_298 : vector<8xi32> to vector<8x1xi32>
    %mul3A_300 = arith.constant 16 : i32
    %mul3A_301 = arith.muli %arg0, %mul3A_300 : i32
    %add3A_302 = arith.constant 8 : i32
    %add3A_303 = arith.addi %mul3A_301, %add3A_302 : i32
    %mul3A_304 = arith.constant 512 : i32
    %mul3A_305 = arith.muli %add3A_303, %mul3A_304 : i32
    %add3A_306 = vector.broadcast %mul3A_305 : i32 to vector<8x1xi32>
    %add3A_307 = arith.addi %broadcast_in_dim3A_299, %add3A_306 : vector<8x1xi32>
    %slice3A_308 = vector.extract_strided_slice %get3A_6 {offsets = [9, 0, 0], sizes = [1, 512, 64], strides = [1, 1, 1]} : vector<16x512x64xf32> to vector<1x512x64xf32>
    %squeeze3A_309 = vector.shape_cast %slice3A_308 : vector<1x512x64xf32> to vector<512x64xf32>
    %mul3A_310 = arith.mulf %squeeze3A_309, %squeeze3A_309 : vector<512x64xf32>
    %reduce_sum3A_311 = arith.constant dense<0.000000e+00> : vector<512xf32>
    %reduce_sum3A_312 = vector.multi_reduction <add>, %mul3A_310, %reduce_sum3A_311 [1] : vector<512x64xf32> to vector<512xf32>
    %reshape3A_313 = vector.shape_cast %reduce_sum3A_312 : vector<512xf32> to vector<1x512xf32>
    %slice3A_314 = vector.extract_strided_slice %get3A_2 {offsets = [0, 9, 0], sizes = [8, 1, 64], strides = [1, 1, 1]} : vector<8x16x64xf32> to vector<8x1x64xf32>
    %squeeze3A_315 = vector.shape_cast %slice3A_314 : vector<8x1x64xf32> to vector<8x64xf32>
    %dot_general3A_316 = arith.constant dense<0.000000e+00> : vector<8x512xf32>
    %dot_general3A_317 = tpu.matmul %squeeze3A_315, %squeeze3A_309, %dot_general3A_316 {dimension_numbers = #tpu.dot_dimension_numbers<[1], [1], [0], [0], [0, 0, 1, 0], [], []>, precision = #tpu.contract_precision<fp32>, transpose_lhs_hint = false} : vector<8x64xf32>, vector<512x64xf32>, vector<8x512xf32> -> vector<8x512xf32>
    %mul3A_318 = arith.constant 2.000000e+00 : f32
    %mul3A_319 = vector.broadcast %mul3A_318 : f32 to vector<8x512xf32>
    %mul3A_320 = arith.mulf %mul3A_319, %dot_general3A_317 : vector<8x512xf32>
    %sub3A_321 = vector.broadcast %reshape3A_313 : vector<1x512xf32> to vector<8x512xf32>
    %sub3A_322 = arith.subf %sub3A_321, %mul3A_320 : vector<8x512xf32>
    %reduce_min3A_323 = arith.constant dense<0x7F800000> : vector<8xf32>
    %reduce_min3A_324 = vector.multi_reduction <minimumf>, %sub3A_322, %reduce_min3A_323 [1] : vector<8x512xf32> to vector<8xf32>
    %broadcast_in_dim3A_325 = vector.shape_cast %reduce_min3A_324 : vector<8xf32> to vector<8x1xf32>
    %iota3A_326 = tpu.iota {dimensions = array<i32: 1>} : vector<8x512xi32>
    %eq3A_327 = vector.broadcast %broadcast_in_dim3A_325 : vector<8x1xf32> to vector<8x512xf32>
    %eq3A_328 = arith.cmpf oeq, %sub3A_322, %eq3A_327 : vector<8x512xf32>
    %jit3A_329 = arith.constant 512 : i32
    %broadcast_in_dim3A_330 = vector.broadcast %jit3A_329 : i32 to vector<8x512xi32>
    %select_n3A_331 = arith.select %eq3A_328, %iota3A_326, %broadcast_in_dim3A_330 : vector<8x512xi1>, vector<8x512xi32>
    %reduce_min3A_332 = arith.constant dense<2147483647> : vector<8xi32>
    %reduce_min3A_333 = vector.multi_reduction <minsi>, %select_n3A_331, %reduce_min3A_332 [1] : vector<8x512xi32> to vector<8xi32>
    %broadcast_in_dim3A_334 = vector.shape_cast %reduce_min3A_333 : vector<8xi32> to vector<8x1xi32>
    %mul3A_335 = arith.constant 16 : i32
    %mul3A_336 = arith.muli %arg0, %mul3A_335 : i32
    %add3A_337 = arith.constant 9 : i32
    %add3A_338 = arith.addi %mul3A_336, %add3A_337 : i32
    %mul3A_339 = arith.constant 512 : i32
    %mul3A_340 = arith.muli %add3A_338, %mul3A_339 : i32
    %add3A_341 = vector.broadcast %mul3A_340 : i32 to vector<8x1xi32>
    %add3A_342 = arith.addi %broadcast_in_dim3A_334, %add3A_341 : vector<8x1xi32>
    %slice3A_343 = vector.extract_strided_slice %get3A_6 {offsets = [10, 0, 0], sizes = [1, 512, 64], strides = [1, 1, 1]} : vector<16x512x64xf32> to vector<1x512x64xf32>
    %squeeze3A_344 = vector.shape_cast %slice3A_343 : vector<1x512x64xf32> to vector<512x64xf32>
    %mul3A_345 = arith.mulf %squeeze3A_344, %squeeze3A_344 : vector<512x64xf32>
    %reduce_sum3A_346 = arith.constant dense<0.000000e+00> : vector<512xf32>
    %reduce_sum3A_347 = vector.multi_reduction <add>, %mul3A_345, %reduce_sum3A_346 [1] : vector<512x64xf32> to vector<512xf32>
    %reshape3A_348 = vector.shape_cast %reduce_sum3A_347 : vector<512xf32> to vector<1x512xf32>
    %slice3A_349 = vector.extract_strided_slice %get3A_2 {offsets = [0, 10, 0], sizes = [8, 1, 64], strides = [1, 1, 1]} : vector<8x16x64xf32> to vector<8x1x64xf32>
    %squeeze3A_350 = vector.shape_cast %slice3A_349 : vector<8x1x64xf32> to vector<8x64xf32>
    %dot_general3A_351 = arith.constant dense<0.000000e+00> : vector<8x512xf32>
    %dot_general3A_352 = tpu.matmul %squeeze3A_350, %squeeze3A_344, %dot_general3A_351 {dimension_numbers = #tpu.dot_dimension_numbers<[1], [1], [0], [0], [0, 0, 1, 0], [], []>, precision = #tpu.contract_precision<fp32>, transpose_lhs_hint = false} : vector<8x64xf32>, vector<512x64xf32>, vector<8x512xf32> -> vector<8x512xf32>
    %mul3A_353 = arith.constant 2.000000e+00 : f32
    %mul3A_354 = vector.broadcast %mul3A_353 : f32 to vector<8x512xf32>
    %mul3A_355 = arith.mulf %mul3A_354, %dot_general3A_352 : vector<8x512xf32>
    %sub3A_356 = vector.broadcast %reshape3A_348 : vector<1x512xf32> to vector<8x512xf32>
    %sub3A_357 = arith.subf %sub3A_356, %mul3A_355 : vector<8x512xf32>
    %reduce_min3A_358 = arith.constant dense<0x7F800000> : vector<8xf32>
    %reduce_min3A_359 = vector.multi_reduction <minimumf>, %sub3A_357, %reduce_min3A_358 [1] : vector<8x512xf32> to vector<8xf32>
    %broadcast_in_dim3A_360 = vector.shape_cast %reduce_min3A_359 : vector<8xf32> to vector<8x1xf32>
    %iota3A_361 = tpu.iota {dimensions = array<i32: 1>} : vector<8x512xi32>
    %eq3A_362 = vector.broadcast %broadcast_in_dim3A_360 : vector<8x1xf32> to vector<8x512xf32>
    %eq3A_363 = arith.cmpf oeq, %sub3A_357, %eq3A_362 : vector<8x512xf32>
    %jit3A_364 = arith.constant 512 : i32
    %broadcast_in_dim3A_365 = vector.broadcast %jit3A_364 : i32 to vector<8x512xi32>
    %select_n3A_366 = arith.select %eq3A_363, %iota3A_361, %broadcast_in_dim3A_365 : vector<8x512xi1>, vector<8x512xi32>
    %reduce_min3A_367 = arith.constant dense<2147483647> : vector<8xi32>
    %reduce_min3A_368 = vector.multi_reduction <minsi>, %select_n3A_366, %reduce_min3A_367 [1] : vector<8x512xi32> to vector<8xi32>
    %broadcast_in_dim3A_369 = vector.shape_cast %reduce_min3A_368 : vector<8xi32> to vector<8x1xi32>
    %mul3A_370 = arith.constant 16 : i32
    %mul3A_371 = arith.muli %arg0, %mul3A_370 : i32
    %add3A_372 = arith.constant 10 : i32
    %add3A_373 = arith.addi %mul3A_371, %add3A_372 : i32
    %mul3A_374 = arith.constant 512 : i32
    %mul3A_375 = arith.muli %add3A_373, %mul3A_374 : i32
    %add3A_376 = vector.broadcast %mul3A_375 : i32 to vector<8x1xi32>
    %add3A_377 = arith.addi %broadcast_in_dim3A_369, %add3A_376 : vector<8x1xi32>
    %slice3A_378 = vector.extract_strided_slice %get3A_6 {offsets = [11, 0, 0], sizes = [1, 512, 64], strides = [1, 1, 1]} : vector<16x512x64xf32> to vector<1x512x64xf32>
    %squeeze3A_379 = vector.shape_cast %slice3A_378 : vector<1x512x64xf32> to vector<512x64xf32>
    %mul3A_380 = arith.mulf %squeeze3A_379, %squeeze3A_379 : vector<512x64xf32>
    %reduce_sum3A_381 = arith.constant dense<0.000000e+00> : vector<512xf32>
    %reduce_sum3A_382 = vector.multi_reduction <add>, %mul3A_380, %reduce_sum3A_381 [1] : vector<512x64xf32> to vector<512xf32>
    %reshape3A_383 = vector.shape_cast %reduce_sum3A_382 : vector<512xf32> to vector<1x512xf32>
    %slice3A_384 = vector.extract_strided_slice %get3A_2 {offsets = [0, 11, 0], sizes = [8, 1, 64], strides = [1, 1, 1]} : vector<8x16x64xf32> to vector<8x1x64xf32>
    %squeeze3A_385 = vector.shape_cast %slice3A_384 : vector<8x1x64xf32> to vector<8x64xf32>
    %dot_general3A_386 = arith.constant dense<0.000000e+00> : vector<8x512xf32>
    %dot_general3A_387 = tpu.matmul %squeeze3A_385, %squeeze3A_379, %dot_general3A_386 {dimension_numbers = #tpu.dot_dimension_numbers<[1], [1], [0], [0], [0, 0, 1, 0], [], []>, precision = #tpu.contract_precision<fp32>, transpose_lhs_hint = false} : vector<8x64xf32>, vector<512x64xf32>, vector<8x512xf32> -> vector<8x512xf32>
    %mul3A_388 = arith.constant 2.000000e+00 : f32
    %mul3A_389 = vector.broadcast %mul3A_388 : f32 to vector<8x512xf32>
    %mul3A_390 = arith.mulf %mul3A_389, %dot_general3A_387 : vector<8x512xf32>
    %sub3A_391 = vector.broadcast %reshape3A_383 : vector<1x512xf32> to vector<8x512xf32>
    %sub3A_392 = arith.subf %sub3A_391, %mul3A_390 : vector<8x512xf32>
    %reduce_min3A_393 = arith.constant dense<0x7F800000> : vector<8xf32>
    %reduce_min3A_394 = vector.multi_reduction <minimumf>, %sub3A_392, %reduce_min3A_393 [1] : vector<8x512xf32> to vector<8xf32>
    %broadcast_in_dim3A_395 = vector.shape_cast %reduce_min3A_394 : vector<8xf32> to vector<8x1xf32>
    %iota3A_396 = tpu.iota {dimensions = array<i32: 1>} : vector<8x512xi32>
    %eq3A_397 = vector.broadcast %broadcast_in_dim3A_395 : vector<8x1xf32> to vector<8x512xf32>
    %eq3A_398 = arith.cmpf oeq, %sub3A_392, %eq3A_397 : vector<8x512xf32>
    %jit3A_399 = arith.constant 512 : i32
    %broadcast_in_dim3A_400 = vector.broadcast %jit3A_399 : i32 to vector<8x512xi32>
    %select_n3A_401 = arith.select %eq3A_398, %iota3A_396, %broadcast_in_dim3A_400 : vector<8x512xi1>, vector<8x512xi32>
    %reduce_min3A_402 = arith.constant dense<2147483647> : vector<8xi32>
    %reduce_min3A_403 = vector.multi_reduction <minsi>, %select_n3A_401, %reduce_min3A_402 [1] : vector<8x512xi32> to vector<8xi32>
    %broadcast_in_dim3A_404 = vector.shape_cast %reduce_min3A_403 : vector<8xi32> to vector<8x1xi32>
    %mul3A_405 = arith.constant 16 : i32
    %mul3A_406 = arith.muli %arg0, %mul3A_405 : i32
    %add3A_407 = arith.constant 11 : i32
    %add3A_408 = arith.addi %mul3A_406, %add3A_407 : i32
    %mul3A_409 = arith.constant 512 : i32
    %mul3A_410 = arith.muli %add3A_408, %mul3A_409 : i32
    %add3A_411 = vector.broadcast %mul3A_410 : i32 to vector<8x1xi32>
    %add3A_412 = arith.addi %broadcast_in_dim3A_404, %add3A_411 : vector<8x1xi32>
    %slice3A_413 = vector.extract_strided_slice %get3A_6 {offsets = [12, 0, 0], sizes = [1, 512, 64], strides = [1, 1, 1]} : vector<16x512x64xf32> to vector<1x512x64xf32>
    %squeeze3A_414 = vector.shape_cast %slice3A_413 : vector<1x512x64xf32> to vector<512x64xf32>
    %mul3A_415 = arith.mulf %squeeze3A_414, %squeeze3A_414 : vector<512x64xf32>
    %reduce_sum3A_416 = arith.constant dense<0.000000e+00> : vector<512xf32>
    %reduce_sum3A_417 = vector.multi_reduction <add>, %mul3A_415, %reduce_sum3A_416 [1] : vector<512x64xf32> to vector<512xf32>
    %reshape3A_418 = vector.shape_cast %reduce_sum3A_417 : vector<512xf32> to vector<1x512xf32>
    %slice3A_419 = vector.extract_strided_slice %get3A_2 {offsets = [0, 12, 0], sizes = [8, 1, 64], strides = [1, 1, 1]} : vector<8x16x64xf32> to vector<8x1x64xf32>
    %squeeze3A_420 = vector.shape_cast %slice3A_419 : vector<8x1x64xf32> to vector<8x64xf32>
    %dot_general3A_421 = arith.constant dense<0.000000e+00> : vector<8x512xf32>
    %dot_general3A_422 = tpu.matmul %squeeze3A_420, %squeeze3A_414, %dot_general3A_421 {dimension_numbers = #tpu.dot_dimension_numbers<[1], [1], [0], [0], [0, 0, 1, 0], [], []>, precision = #tpu.contract_precision<fp32>, transpose_lhs_hint = false} : vector<8x64xf32>, vector<512x64xf32>, vector<8x512xf32> -> vector<8x512xf32>
    %mul3A_423 = arith.constant 2.000000e+00 : f32
    %mul3A_424 = vector.broadcast %mul3A_423 : f32 to vector<8x512xf32>
    %mul3A_425 = arith.mulf %mul3A_424, %dot_general3A_422 : vector<8x512xf32>
    %sub3A_426 = vector.broadcast %reshape3A_418 : vector<1x512xf32> to vector<8x512xf32>
    %sub3A_427 = arith.subf %sub3A_426, %mul3A_425 : vector<8x512xf32>
    %reduce_min3A_428 = arith.constant dense<0x7F800000> : vector<8xf32>
    %reduce_min3A_429 = vector.multi_reduction <minimumf>, %sub3A_427, %reduce_min3A_428 [1] : vector<8x512xf32> to vector<8xf32>
    %broadcast_in_dim3A_430 = vector.shape_cast %reduce_min3A_429 : vector<8xf32> to vector<8x1xf32>
    %iota3A_431 = tpu.iota {dimensions = array<i32: 1>} : vector<8x512xi32>
    %eq3A_432 = vector.broadcast %broadcast_in_dim3A_430 : vector<8x1xf32> to vector<8x512xf32>
    %eq3A_433 = arith.cmpf oeq, %sub3A_427, %eq3A_432 : vector<8x512xf32>
    %jit3A_434 = arith.constant 512 : i32
    %broadcast_in_dim3A_435 = vector.broadcast %jit3A_434 : i32 to vector<8x512xi32>
    %select_n3A_436 = arith.select %eq3A_433, %iota3A_431, %broadcast_in_dim3A_435 : vector<8x512xi1>, vector<8x512xi32>
    %reduce_min3A_437 = arith.constant dense<2147483647> : vector<8xi32>
    %reduce_min3A_438 = vector.multi_reduction <minsi>, %select_n3A_436, %reduce_min3A_437 [1] : vector<8x512xi32> to vector<8xi32>
    %broadcast_in_dim3A_439 = vector.shape_cast %reduce_min3A_438 : vector<8xi32> to vector<8x1xi32>
    %mul3A_440 = arith.constant 16 : i32
    %mul3A_441 = arith.muli %arg0, %mul3A_440 : i32
    %add3A_442 = arith.constant 12 : i32
    %add3A_443 = arith.addi %mul3A_441, %add3A_442 : i32
    %mul3A_444 = arith.constant 512 : i32
    %mul3A_445 = arith.muli %add3A_443, %mul3A_444 : i32
    %add3A_446 = vector.broadcast %mul3A_445 : i32 to vector<8x1xi32>
    %add3A_447 = arith.addi %broadcast_in_dim3A_439, %add3A_446 : vector<8x1xi32>
    %slice3A_448 = vector.extract_strided_slice %get3A_6 {offsets = [13, 0, 0], sizes = [1, 512, 64], strides = [1, 1, 1]} : vector<16x512x64xf32> to vector<1x512x64xf32>
    %squeeze3A_449 = vector.shape_cast %slice3A_448 : vector<1x512x64xf32> to vector<512x64xf32>
    %mul3A_450 = arith.mulf %squeeze3A_449, %squeeze3A_449 : vector<512x64xf32>
    %reduce_sum3A_451 = arith.constant dense<0.000000e+00> : vector<512xf32>
    %reduce_sum3A_452 = vector.multi_reduction <add>, %mul3A_450, %reduce_sum3A_451 [1] : vector<512x64xf32> to vector<512xf32>
    %reshape3A_453 = vector.shape_cast %reduce_sum3A_452 : vector<512xf32> to vector<1x512xf32>
    %slice3A_454 = vector.extract_strided_slice %get3A_2 {offsets = [0, 13, 0], sizes = [8, 1, 64], strides = [1, 1, 1]} : vector<8x16x64xf32> to vector<8x1x64xf32>
    %squeeze3A_455 = vector.shape_cast %slice3A_454 : vector<8x1x64xf32> to vector<8x64xf32>
    %dot_general3A_456 = arith.constant dense<0.000000e+00> : vector<8x512xf32>
    %dot_general3A_457 = tpu.matmul %squeeze3A_455, %squeeze3A_449, %dot_general3A_456 {dimension_numbers = #tpu.dot_dimension_numbers<[1], [1], [0], [0], [0, 0, 1, 0], [], []>, precision = #tpu.contract_precision<fp32>, transpose_lhs_hint = false} : vector<8x64xf32>, vector<512x64xf32>, vector<8x512xf32> -> vector<8x512xf32>
    %mul3A_458 = arith.constant 2.000000e+00 : f32
    %mul3A_459 = vector.broadcast %mul3A_458 : f32 to vector<8x512xf32>
    %mul3A_460 = arith.mulf %mul3A_459, %dot_general3A_457 : vector<8x512xf32>
    %sub3A_461 = vector.broadcast %reshape3A_453 : vector<1x512xf32> to vector<8x512xf32>
    %sub3A_462 = arith.subf %sub3A_461, %mul3A_460 : vector<8x512xf32>
    %reduce_min3A_463 = arith.constant dense<0x7F800000> : vector<8xf32>
    %reduce_min3A_464 = vector.multi_reduction <minimumf>, %sub3A_462, %reduce_min3A_463 [1] : vector<8x512xf32> to vector<8xf32>
    %broadcast_in_dim3A_465 = vector.shape_cast %reduce_min3A_464 : vector<8xf32> to vector<8x1xf32>
    %iota3A_466 = tpu.iota {dimensions = array<i32: 1>} : vector<8x512xi32>
    %eq3A_467 = vector.broadcast %broadcast_in_dim3A_465 : vector<8x1xf32> to vector<8x512xf32>
    %eq3A_468 = arith.cmpf oeq, %sub3A_462, %eq3A_467 : vector<8x512xf32>
    %jit3A_469 = arith.constant 512 : i32
    %broadcast_in_dim3A_470 = vector.broadcast %jit3A_469 : i32 to vector<8x512xi32>
    %select_n3A_471 = arith.select %eq3A_468, %iota3A_466, %broadcast_in_dim3A_470 : vector<8x512xi1>, vector<8x512xi32>
    %reduce_min3A_472 = arith.constant dense<2147483647> : vector<8xi32>
    %reduce_min3A_473 = vector.multi_reduction <minsi>, %select_n3A_471, %reduce_min3A_472 [1] : vector<8x512xi32> to vector<8xi32>
    %broadcast_in_dim3A_474 = vector.shape_cast %reduce_min3A_473 : vector<8xi32> to vector<8x1xi32>
    %mul3A_475 = arith.constant 16 : i32
    %mul3A_476 = arith.muli %arg0, %mul3A_475 : i32
    %add3A_477 = arith.constant 13 : i32
    %add3A_478 = arith.addi %mul3A_476, %add3A_477 : i32
    %mul3A_479 = arith.constant 512 : i32
    %mul3A_480 = arith.muli %add3A_478, %mul3A_479 : i32
    %add3A_481 = vector.broadcast %mul3A_480 : i32 to vector<8x1xi32>
    %add3A_482 = arith.addi %broadcast_in_dim3A_474, %add3A_481 : vector<8x1xi32>
    %slice3A_483 = vector.extract_strided_slice %get3A_6 {offsets = [14, 0, 0], sizes = [1, 512, 64], strides = [1, 1, 1]} : vector<16x512x64xf32> to vector<1x512x64xf32>
    %squeeze3A_484 = vector.shape_cast %slice3A_483 : vector<1x512x64xf32> to vector<512x64xf32>
    %mul3A_485 = arith.mulf %squeeze3A_484, %squeeze3A_484 : vector<512x64xf32>
    %reduce_sum3A_486 = arith.constant dense<0.000000e+00> : vector<512xf32>
    %reduce_sum3A_487 = vector.multi_reduction <add>, %mul3A_485, %reduce_sum3A_486 [1] : vector<512x64xf32> to vector<512xf32>
    %reshape3A_488 = vector.shape_cast %reduce_sum3A_487 : vector<512xf32> to vector<1x512xf32>
    %slice3A_489 = vector.extract_strided_slice %get3A_2 {offsets = [0, 14, 0], sizes = [8, 1, 64], strides = [1, 1, 1]} : vector<8x16x64xf32> to vector<8x1x64xf32>
    %squeeze3A_490 = vector.shape_cast %slice3A_489 : vector<8x1x64xf32> to vector<8x64xf32>
    %dot_general3A_491 = arith.constant dense<0.000000e+00> : vector<8x512xf32>
    %dot_general3A_492 = tpu.matmul %squeeze3A_490, %squeeze3A_484, %dot_general3A_491 {dimension_numbers = #tpu.dot_dimension_numbers<[1], [1], [0], [0], [0, 0, 1, 0], [], []>, precision = #tpu.contract_precision<fp32>, transpose_lhs_hint = false} : vector<8x64xf32>, vector<512x64xf32>, vector<8x512xf32> -> vector<8x512xf32>
    %mul3A_493 = arith.constant 2.000000e+00 : f32
    %mul3A_494 = vector.broadcast %mul3A_493 : f32 to vector<8x512xf32>
    %mul3A_495 = arith.mulf %mul3A_494, %dot_general3A_492 : vector<8x512xf32>
    %sub3A_496 = vector.broadcast %reshape3A_488 : vector<1x512xf32> to vector<8x512xf32>
    %sub3A_497 = arith.subf %sub3A_496, %mul3A_495 : vector<8x512xf32>
    %reduce_min3A_498 = arith.constant dense<0x7F800000> : vector<8xf32>
    %reduce_min3A_499 = vector.multi_reduction <minimumf>, %sub3A_497, %reduce_min3A_498 [1] : vector<8x512xf32> to vector<8xf32>
    %broadcast_in_dim3A_500 = vector.shape_cast %reduce_min3A_499 : vector<8xf32> to vector<8x1xf32>
    %iota3A_501 = tpu.iota {dimensions = array<i32: 1>} : vector<8x512xi32>
    %eq3A_502 = vector.broadcast %broadcast_in_dim3A_500 : vector<8x1xf32> to vector<8x512xf32>
    %eq3A_503 = arith.cmpf oeq, %sub3A_497, %eq3A_502 : vector<8x512xf32>
    %jit3A_504 = arith.constant 512 : i32
    %broadcast_in_dim3A_505 = vector.broadcast %jit3A_504 : i32 to vector<8x512xi32>
    %select_n3A_506 = arith.select %eq3A_503, %iota3A_501, %broadcast_in_dim3A_505 : vector<8x512xi1>, vector<8x512xi32>
    %reduce_min3A_507 = arith.constant dense<2147483647> : vector<8xi32>
    %reduce_min3A_508 = vector.multi_reduction <minsi>, %select_n3A_506, %reduce_min3A_507 [1] : vector<8x512xi32> to vector<8xi32>
    %broadcast_in_dim3A_509 = vector.shape_cast %reduce_min3A_508 : vector<8xi32> to vector<8x1xi32>
    %mul3A_510 = arith.constant 16 : i32
    %mul3A_511 = arith.muli %arg0, %mul3A_510 : i32
    %add3A_512 = arith.constant 14 : i32
    %add3A_513 = arith.addi %mul3A_511, %add3A_512 : i32
    %mul3A_514 = arith.constant 512 : i32
    %mul3A_515 = arith.muli %add3A_513, %mul3A_514 : i32
    %add3A_516 = vector.broadcast %mul3A_515 : i32 to vector<8x1xi32>
    %add3A_517 = arith.addi %broadcast_in_dim3A_509, %add3A_516 : vector<8x1xi32>
    %slice3A_518 = vector.extract_strided_slice %get3A_6 {offsets = [15, 0, 0], sizes = [1, 512, 64], strides = [1, 1, 1]} : vector<16x512x64xf32> to vector<1x512x64xf32>
    %squeeze3A_519 = vector.shape_cast %slice3A_518 : vector<1x512x64xf32> to vector<512x64xf32>
    %mul3A_520 = arith.mulf %squeeze3A_519, %squeeze3A_519 : vector<512x64xf32>
    %reduce_sum3A_521 = arith.constant dense<0.000000e+00> : vector<512xf32>
    %reduce_sum3A_522 = vector.multi_reduction <add>, %mul3A_520, %reduce_sum3A_521 [1] : vector<512x64xf32> to vector<512xf32>
    %reshape3A_523 = vector.shape_cast %reduce_sum3A_522 : vector<512xf32> to vector<1x512xf32>
    %slice3A_524 = vector.extract_strided_slice %get3A_2 {offsets = [0, 15, 0], sizes = [8, 1, 64], strides = [1, 1, 1]} : vector<8x16x64xf32> to vector<8x1x64xf32>
    %squeeze3A_525 = vector.shape_cast %slice3A_524 : vector<8x1x64xf32> to vector<8x64xf32>
    %dot_general3A_526 = arith.constant dense<0.000000e+00> : vector<8x512xf32>
    %dot_general3A_527 = tpu.matmul %squeeze3A_525, %squeeze3A_519, %dot_general3A_526 {dimension_numbers = #tpu.dot_dimension_numbers<[1], [1], [0], [0], [0, 0, 1, 0], [], []>, precision = #tpu.contract_precision<fp32>, transpose_lhs_hint = false} : vector<8x64xf32>, vector<512x64xf32>, vector<8x512xf32> -> vector<8x512xf32>
    %mul3A_528 = arith.constant 2.000000e+00 : f32
    %mul3A_529 = vector.broadcast %mul3A_528 : f32 to vector<8x512xf32>
    %mul3A_530 = arith.mulf %mul3A_529, %dot_general3A_527 : vector<8x512xf32>
    %sub3A_531 = vector.broadcast %reshape3A_523 : vector<1x512xf32> to vector<8x512xf32>
    %sub3A_532 = arith.subf %sub3A_531, %mul3A_530 : vector<8x512xf32>
    %reduce_min3A_533 = arith.constant dense<0x7F800000> : vector<8xf32>
    %reduce_min3A_534 = vector.multi_reduction <minimumf>, %sub3A_532, %reduce_min3A_533 [1] : vector<8x512xf32> to vector<8xf32>
    %broadcast_in_dim3A_535 = vector.shape_cast %reduce_min3A_534 : vector<8xf32> to vector<8x1xf32>
    %iota3A_536 = tpu.iota {dimensions = array<i32: 1>} : vector<8x512xi32>
    %eq3A_537 = vector.broadcast %broadcast_in_dim3A_535 : vector<8x1xf32> to vector<8x512xf32>
    %eq3A_538 = arith.cmpf oeq, %sub3A_532, %eq3A_537 : vector<8x512xf32>
    %jit3A_539 = arith.constant 512 : i32
    %broadcast_in_dim3A_540 = vector.broadcast %jit3A_539 : i32 to vector<8x512xi32>
    %select_n3A_541 = arith.select %eq3A_538, %iota3A_536, %broadcast_in_dim3A_540 : vector<8x512xi1>, vector<8x512xi32>
    %reduce_min3A_542 = arith.constant dense<2147483647> : vector<8xi32>
    %reduce_min3A_543 = vector.multi_reduction <minsi>, %select_n3A_541, %reduce_min3A_542 [1] : vector<8x512xi32> to vector<8xi32>
    %broadcast_in_dim3A_544 = vector.shape_cast %reduce_min3A_543 : vector<8xi32> to vector<8x1xi32>
    %mul3A_545 = arith.constant 16 : i32
    %mul3A_546 = arith.muli %arg0, %mul3A_545 : i32
    %add3A_547 = arith.constant 15 : i32
    %add3A_548 = arith.addi %mul3A_546, %add3A_547 : i32
    %mul3A_549 = arith.constant 512 : i32
    %mul3A_550 = arith.muli %add3A_548, %mul3A_549 : i32
    %add3A_551 = vector.broadcast %mul3A_550 : i32 to vector<8x1xi32>
    %add3A_552 = arith.addi %broadcast_in_dim3A_544, %add3A_551 : vector<8x1xi32>
    %concatenate3A = tpu.concatenate %add3A_27, %add3A_62, %add3A_97, %add3A_132, %add3A_167, %add3A_202, %add3A_237, %add3A_272, %add3A_307, %add3A_342, %add3A_377, %add3A_412, %add3A_447, %add3A_482, %add3A_517, %add3A_552 in 1 : vector<8x1xi32>, vector<8x1xi32>, vector<8x1xi32>, vector<8x1xi32>, vector<8x1xi32>, vector<8x1xi32>, vector<8x1xi32>, vector<8x1xi32>, vector<8x1xi32>, vector<8x1xi32>, vector<8x1xi32>, vector<8x1xi32>, vector<8x1xi32>, vector<8x1xi32>, vector<8x1xi32>, vector<8x1xi32> -> vector<8x16xi32>
    %broadcast_in_dim3A_553 = vector.shape_cast %concatenate3A : vector<8x16xi32> to vector<1x8x16xi32>
    %swap3A = arith.constant 0 : index
    %swap3A_554 = arith.constant 0 : index
    %swap3A_555 = arith.constant 0 : index
    %swap3A_556 = vector.load %arg3[%swap3A, %swap3A_554, %swap3A_555] : memref<1x8x16xi32, #tpu.memory_space<vmem>>, vector<1x8x16xi32>
    tpu.vector_store %arg3[%swap3A, %swap3A_554, %swap3A_555], %broadcast_in_dim3A_553 {strides = array<i32>} : memref<1x8x16xi32, #tpu.memory_space<vmem>>, vector<1x8x16xi32>,
    return
  }
  func.func @transform_0(%arg0: i32) -> (i32, i32, i32) {
    %c0_i32 = arith.constant 0 : i32
    %c0_i32_0 = arith.constant 0 : i32
    %c0_i32_1 = arith.constant 0 : i32
    return %c0_i32, %arg0, %c0_i32_0 : i32, i32, i32
  }
  func.func @transform_1(%arg0: i32) -> (i32, i32, i32) {
    %c0_i32 = arith.constant 0 : i32
    %c0_i32_0 = arith.constant 0 : i32
    %c0_i32_1 = arith.constant 0 : i32
    return %arg0, %c0_i32, %c0_i32_0 : i32, i32, i32
  }
  func.func @transform_2(%arg0: i32) -> (i32, i32, i32) {
    %c0_i32 = arith.constant 0 : i32
    %c0_i32_0 = arith.constant 0 : i32
    %c0_i32_1 = arith.constant 0 : i32
    return %arg0, %c0_i32, %c0_i32_0 : i32, i32, i32
  }
}

module attributes {stable_mosaic.version = 14 : i64} {
  func.func @_half_select_kernel(%arg0: memref<8x192x128xf32, #tpu.memory_space<vmem>>, %arg1: memref<8x192xi32, #tpu.memory_space<vmem>>, %arg2: memref<8x192x64xf32, #tpu.memory_space<vmem>>) attributes {dimension_semantics = [], scalar_prefetch = 0 : i64, scratch_operands = 0 : i64, tpu.core_type = #tpu.core_type<tc>} {
    %get3A = arith.constant 0 : index
    %get3A_0 = arith.constant 0 : index
    %get3A_1 = arith.constant 0 : index
    %get3A_2 = vector.load %arg0[%get3A, %get3A_0, %get3A_1] : memref<8x192x128xf32, #tpu.memory_space<vmem>>, vector<8x192x128xf32>
    %get3A_3 = arith.constant 0 : index
    %get3A_4 = arith.constant 0 : index
    %get3A_5 = vector.load %arg1[%get3A_3, %get3A_4] : memref<8x192xi32, #tpu.memory_space<vmem>>, vector<8x192xi32>
    %broadcast_in_dim3A = vector.shape_cast %get3A_5 : vector<8x192xi32> to vector<8x192x1xi32>
    %eq3A = arith.constant 0 : i32
    %eq3A_6 = vector.broadcast %eq3A : i32 to vector<8x192x1xi32>
    %eq3A_7 = arith.cmpi eq, %broadcast_in_dim3A, %eq3A_6 : vector<8x192x1xi32>
    %slice3A = vector.extract_strided_slice %get3A_2 {offsets = [0, 0, 0], sizes = [8, 192, 64], strides = [1, 1, 1]} : vector<8x192x128xf32> to vector<8x192x64xf32>
    %slice3A_8 = vector.extract_strided_slice %get3A_2 {offsets = [0, 0, 64], sizes = [8, 192, 64], strides = [1, 1, 1]} : vector<8x192x128xf32> to vector<8x192x64xf32>
    %broadcast_in_dim3A_9 = vector.shape_cast %eq3A_7 : vector<8x192x1xi1> to vector<8x192x1xi1>
    %broadcast_in_dim3A_10 = vector.broadcast %broadcast_in_dim3A_9 : vector<8x192x1xi1> to vector<8x192x64xi1>
    %select_n3A = arith.select %broadcast_in_dim3A_10, %slice3A, %slice3A_8 : vector<8x192x64xi1>, vector<8x192x64xf32>
    %swap3A = arith.constant 0 : index
    %swap3A_11 = arith.constant 0 : index
    %swap3A_12 = arith.constant 0 : index
    %swap3A_13 = vector.load %arg2[%swap3A, %swap3A_11, %swap3A_12] : memref<8x192x64xf32, #tpu.memory_space<vmem>>, vector<8x192x64xf32>
    tpu.vector_store %arg2[%swap3A, %swap3A_11, %swap3A_12], %select_n3A {strides = array<i32>} : memref<8x192x64xf32, #tpu.memory_space<vmem>>, vector<8x192x64xf32>,
    return
  }
}

module attributes {stable_mosaic.version = 14 : i64} {
  func.func @_fc_kernel(%arg0: i32, %arg1: memref<8x12288xf32, #tpu.memory_space<vmem>>, %arg2: memref<256x12288xf32, #tpu.memory_space<vmem>>, %arg3: memref<1x256xf32, #tpu.memory_space<vmem>>, %arg4: memref<10x256xf32, #tpu.memory_space<vmem>>, %arg5: memref<1x10xf32, #tpu.memory_space<vmem>>, %arg6: memref<8x10xf32, #tpu.memory_space<vmem>>) attributes {dimension_semantics = [#tpu.dimension_semantics<arbitrary>], iteration_bounds = array<i64: 8>, scalar_prefetch = 0 : i64, scratch_operands = 0 : i64, tpu.core_type = #tpu.core_type<tc>, window_params = [{pipeline_mode = #tpu.pipeline_mode<synchronous>, transform_indices = @transform_0, window_bounds = array<i64: 8, 12288>}, {transform_indices = @transform_1, window_bounds = array<i64: 256, 12288>}, {transform_indices = @transform_2, window_bounds = array<i64: 1, 256>}, {transform_indices = @transform_3, window_bounds = array<i64: 10, 256>}, {pipeline_mode = #tpu.pipeline_mode<synchronous>, transform_indices = @transform_4, window_bounds = array<i64: 1, 10>}, {pipeline_mode = #tpu.pipeline_mode<synchronous>, transform_indices = @transform_5, window_bounds = array<i64: 8, 10>}]} {
    %get3A = arith.constant 0 : index
    %get3A_0 = arith.constant 0 : index
    %get3A_1 = vector.load %arg1[%get3A, %get3A_0] : memref<8x12288xf32, #tpu.memory_space<vmem>>, vector<8x12288xf32>
    %convert_element_type3A = arith.truncf %get3A_1 : vector<8x12288xf32> to vector<8x12288xbf16>
    %get3A_2 = arith.constant 0 : index
    %get3A_3 = arith.constant 0 : index
    %get3A_4 = vector.load %arg2[%get3A_2, %get3A_3] : memref<256x12288xf32, #tpu.memory_space<vmem>>, vector<256x12288xf32>
    %convert_element_type3A_5 = arith.truncf %get3A_4 : vector<256x12288xf32> to vector<256x12288xbf16>
    %dot_general3A = arith.constant dense<0.000000e+00> : vector<8x256xf32>
    %dot_general3A_6 = tpu.matmul %convert_element_type3A, %convert_element_type3A_5, %dot_general3A {dimension_numbers = #tpu.dot_dimension_numbers<[1], [1], [0], [0], [0, 0, 1, 0], [], []>, transpose_lhs_hint = false} : vector<8x12288xbf16>, vector<256x12288xbf16>, vector<8x256xf32> -> vector<8x256xf32>
    %get3A_7 = arith.constant 0 : index
    %get3A_8 = arith.constant 0 : index
    %get3A_9 = vector.load %arg3[%get3A_7, %get3A_8] : memref<1x256xf32, #tpu.memory_space<vmem>>, vector<1x256xf32>
    %add3A = vector.broadcast %get3A_9 : vector<1x256xf32> to vector<8x256xf32>
    %add3A_10 = arith.addf %dot_general3A_6, %add3A : vector<8x256xf32>
    %max3A = arith.constant 0.000000e+00 : f32
    %max3A_11 = vector.broadcast %max3A : f32 to vector<8x256xf32>
    %max3A_12 = arith.maximumf %add3A_10, %max3A_11 : vector<8x256xf32>
    %convert_element_type3A_13 = arith.truncf %max3A_12 : vector<8x256xf32> to vector<8x256xbf16>
    %get3A_14 = arith.constant 0 : index
    %get3A_15 = arith.constant 0 : index
    %get3A_16 = vector.load %arg4[%get3A_14, %get3A_15] : memref<10x256xf32, #tpu.memory_space<vmem>>, vector<10x256xf32>
    %convert_element_type3A_17 = arith.truncf %get3A_16 : vector<10x256xf32> to vector<10x256xbf16>
    %dot_general3A_18 = arith.constant dense<0.000000e+00> : vector<8x10xf32>
    %dot_general3A_19 = tpu.matmul %convert_element_type3A_13, %convert_element_type3A_17, %dot_general3A_18 {dimension_numbers = #tpu.dot_dimension_numbers<[1], [1], [0], [0], [0, 0, 1, 0], [], []>, transpose_lhs_hint = false} : vector<8x256xbf16>, vector<10x256xbf16>, vector<8x10xf32> -> vector<8x10xf32>
    %eq3A = arith.constant 0 : i32
    %eq3A_20 = arith.cmpi eq, %arg0, %eq3A : i32
    %convert_element_type3A_21 = arith.extui %eq3A_20 : i1 to i32
    %cond3A = arith.constant 0 : i32
    %cond3A_22 = arith.cmpi ne, %convert_element_type3A_21, %cond3A : i32
    scf.if %cond3A_22 {
      %get3A_27 = arith.constant 0 : index
      %get3A_28 = arith.constant 0 : index
      %get3A_29 = vector.load %arg5[%get3A_27, %get3A_28] : memref<1x10xf32, #tpu.memory_space<vmem>>, vector<1x10xf32>
      %add3A_30 = vector.broadcast %get3A_29 : vector<1x10xf32> to vector<8x10xf32>
      %add3A_31 = arith.addf %dot_general3A_19, %add3A_30 : vector<8x10xf32>
      %swap3A = arith.constant 0 : index
      %swap3A_32 = arith.constant 0 : index
      %swap3A_33 = vector.load %arg6[%swap3A, %swap3A_32] : memref<8x10xf32, #tpu.memory_space<vmem>>, vector<8x10xf32>
      tpu.vector_store %arg6[%swap3A, %swap3A_32], %add3A_31 {strides = array<i32>} : memref<8x10xf32, #tpu.memory_space<vmem>>, vector<8x10xf32>,
    } else {
    }
    %ne3A = arith.constant 0 : i32
    %ne3A_23 = arith.cmpi ne, %arg0, %ne3A : i32
    %convert_element_type3A_24 = arith.extui %ne3A_23 : i1 to i32
    %cond3A_25 = arith.constant 0 : i32
    %cond3A_26 = arith.cmpi ne, %convert_element_type3A_24, %cond3A_25 : i32
    scf.if %cond3A_26 {
      %get3A_27 = arith.constant 0 : index
      %get3A_28 = arith.constant 0 : index
      %get3A_29 = vector.load %arg6[%get3A_27, %get3A_28] : memref<8x10xf32, #tpu.memory_space<vmem>>, vector<8x10xf32>
      %add3A_30 = arith.addf %get3A_29, %dot_general3A_19 : vector<8x10xf32>
      %swap3A = arith.constant 0 : index
      %swap3A_31 = arith.constant 0 : index
      %swap3A_32 = vector.load %arg6[%swap3A, %swap3A_31] : memref<8x10xf32, #tpu.memory_space<vmem>>, vector<8x10xf32>
      tpu.vector_store %arg6[%swap3A, %swap3A_31], %add3A_30 {strides = array<i32>} : memref<8x10xf32, #tpu.memory_space<vmem>>, vector<8x10xf32>,
    } else {
    }
    return
  }
  func.func @transform_0(%arg0: i32) -> (i32, i32) {
    %c0_i32 = arith.constant 0 : i32
    %c0_i32_0 = arith.constant 0 : i32
    %c0_i32_1 = arith.constant 0 : i32
    return %c0_i32, %c0_i32_0 : i32, i32
  }
  func.func @transform_1(%arg0: i32) -> (i32, i32) {
    %c0_i32 = arith.constant 0 : i32
    %c0_i32_0 = arith.constant 0 : i32
    return %arg0, %c0_i32 : i32, i32
  }
  func.func @transform_2(%arg0: i32) -> (i32, i32) {
    %c0_i32 = arith.constant 0 : i32
    %c0_i32_0 = arith.constant 0 : i32
    return %c0_i32, %arg0 : i32, i32
  }
  func.func @transform_3(%arg0: i32) -> (i32, i32) {
    %c0_i32 = arith.constant 0 : i32
    %c0_i32_0 = arith.constant 0 : i32
    return %c0_i32, %arg0 : i32, i32
  }
  func.func @transform_4(%arg0: i32) -> (i32, i32) {
    %c0_i32 = arith.constant 0 : i32
    %c0_i32_0 = arith.constant 0 : i32
    %c0_i32_1 = arith.constant 0 : i32
    return %c0_i32, %c0_i32_0 : i32, i32
  }
  func.func @transform_5(%arg0: i32) -> (i32, i32) {
    %c0_i32 = arith.constant 0 : i32
    %c0_i32_0 = arith.constant 0 : i32
    %c0_i32_1 = arith.constant 0 : i32
    return %c0_i32, %c0_i32_0 : i32, i32
  }
}

</mosaic_0001>

<sc_bundles>
// kernel: kernel.12.cloned.1.call-start
scs
__scs_entry_jumppad:
0x0: {  	(pc) =	sbr.rel $0x88, $3  }
0x1: {  	(tag) =	ssettag $0x0;
	lr =	simm.s32 $0x1  }
0x2: {  	[smem:$0x3F96] =	sst lr;
	_ =	strace $0xD0000000  }
0x3: {  	_ = 	snop  }
0x4: {  	_ = 	snop  }
0x5: {  	_ = 	snop  }
0x6: {  	_ = 	snop  }
0x7: {  	_ = 	snop  }
__scs_overlays_trampoline_lowered:
0x8: {  	[smem:$0x3FA5] =	sst s0  }
0x9: {  	[smem:$0x3FA6] =	sst s1  }
0xa: {  	[smem:$0x3FA7] =	sst s2  }
0xb: {  	[smem:$0x3FA8] =	sst s3  }
0xc: {  	[smem:$0x3FA9] =	sst s4  }
0xd: {  	[smem:$0x3FAA] =	sst s5  }
0xe: {  	[smem:$0x3FAB] =	sst s6  }
0xf: {  	[smem:$0x3FAC] =	sst s7  }
0x10: {  	[smem:$0x3FAD] =	sst s8  }
0x11: {  	[smem:$0x3FAE] =	sst s9;
	s0 =	simm.s32 @!p0 $0x0  }
0x12: {  	s1 =	sld [smem:$0x3F94];
	s0 =	simm.s32 @p0 $0x1  }
0x13: {  	[smem:$0x3FAF] =	sst s0;
	s0 =	simm.s32 @!p1 $0x0  }
0x14: {  	s2 =	sld [smem:$0x3F93];
	s0 =	simm.s32 @p1 $0x1  }
0x15: {  	[smem:$0x3FB0] =	sst s0;
	s0 =	simm.s32 @!p2 $0x0  }
0x16: {  	s3 =	sld [smem:$0x3FDB];
	s0 =	simm.s32 @p2 $0x1  }
0x17: {  	s4 =	simm.s32 $0x1BF5;
	[smem:$0x3FB2] =	sst s0  }
0x18: {  	s0 =	sld [smem:$0x3F95];
	_ =	swait.ge [sflag:s4], $0x0  }
0x19: {  	s7 =	sld [smem:$0x3F96]  }
0x1a: {  	s8 =	sadd.s32 $0xFFFFE003, lr  }
0x1b: {  	s9 =	sadd.s32 $0xFFFFFEF7, lr;
	s5 =	simm.s32 $0xFFFFFFFF;
	p2 =	slt.u32 s8, $0xFFFFF086  }
0x1c: {  	p1 =	slt.u32 s9, $0xF7A;
	s5 =	simm.s32 @!p2 $0x0  }
0x1d: {  	s5 =	simm.s32 @p1 $0x1;
	p0 =	seq.s32 s7, s2  }
0x1e: {  	s7 =	smul.u32 @!p0 $0xF7A, s2;
	p2 =	seq.s32 @!p0 s5, $0x0  }
0x1f: {  	s9 =	smul.u32 $0xF7A, s1;
	s8 =	simm.s32 @!p0 $0x1BF5;
	p2 =	por !p2, p0  }
0x20: {  	[sflag:s8] =	ssyncset.s32 @!p0 $0xFFFFF086;
	s6 =	sadd.s32 @!p0 s3, s7;
	s7 =	simm.s32 @!p0 $0x108  }
0x21: {  	s3 =	sadd.s32 s3, s9;
	s6 =	sadd.s32 @!p0 $0x88, s6;
	s7 =	simm.s32 @p2 $0x1082  }
0x22: {  	[simem:s7], [sflag:s8] =	dma.local @!p0 [hbm:s6], $0xF7A  }
0x23: {  	s9 =	sor.u32 $0xD0000000, s2;
	s6 =	simm.s32 $0x108;
	_ =	swait.ge @!p0 [sflag:s8], $0x0  }
0x24: {  	s3 =	sadd.s32 $0x88, s3;
	s6 =	simm.s32 @!p1 $0x1082;
	[sflag:s4] =	ssyncset.s32 $0xFFFFF086  }
0x25: {  	[simem:s6], [sflag:s4] =	dma.local [hbm:s3], $0xF7A  }
0x26: {  	[smem:$0x3F96] =	sst s1;
	(tag) =	ssettag s2;
	_ =	strace s9  }
0x27: {  	s1 =	sld [smem:$0x3FA6]  }
0x28: {  	s2 =	sld [smem:$0x3FA7]  }
0x29: {  	s4 =	sld [smem:$0x3FA9]  }
0x2a: {  	p0 =	seq.s32 s5, $0x0;
	s5 =	sld [smem:$0x3FAA]  }
0x2b: {  	s6 =	sld [smem:$0x3FAB]  }
0x2c: {  	s7 =	sld [smem:$0x3FAC]  }
0x2d: {  	s3 =	simm.s32 $0x108;
	s8 =	sld [smem:$0x3FAD]  }
0x2e: {  	s3 =	simm.s32 @!p0 $0x1082;
	s9 =	sld [smem:$0x3FAE]  }
0x2f: {  	lr =	sadd.s32 s0, s3;
	s0 =	sld [smem:$0x3FA5]  }
0x30: {  	s3 =	sld [smem:$0x3FA8]  }
0x31: {  	[smem:$0x3FB1] =	sst s10  }
0x32: {  	s10 =	sld [smem:$0x3FAF];
	_ =	sdelay $0x3  }
0x33: {  	p0 =	seq.s32 s10, $0x1;
	s10 =	sld [smem:$0x3FB1];
	_ =	sdelay $0x3  }
0x34: {  	[smem:$0x3FB1] =	sst s10  }
0x35: {  	s10 =	sld [smem:$0x3FB0];
	_ =	sdelay $0x3  }
0x36: {  	p1 =	seq.s32 s10, $0x1;
	s10 =	sld [smem:$0x3FB1];
	_ =	sdelay $0x3  }
0x37: {  	[smem:$0x3FB1] =	sst s10  }
0x38: {  	s10 =	sld [smem:$0x3FB2]  }
0x39: {  	_ = 	snop;
	(pc) =	sbr.ind lr, $3  }
0x3a: {  	_ = 	snop  }
0x3b: {  	_ = 	snop  }
0x3c: {  	p2 =	seq.s32 s10, $0x1;
	s10 =	sld [smem:$0x3FB1]  }
0x3d: {  	_ =	shalt  }
0x3e: {  	_ =	shalt  }
0x3f: {  	_ =	shalt  }
0x40: {  	_ =	shalt  }
0x41: {  	_ =	shalt  }
0x42: {  	_ =	shalt  }
0x43: {  	_ =	shalt  }
0x44: {  	_ =	shalt  }
0x45: {  	_ =	shalt  }
0x46: {  	_ =	shalt  }
0x47: {  	_ =	shalt  }
0x48: {  	_ =	shalt  }
0x49: {  	_ =	shalt  }
0x4a: {  	_ =	shalt  }
0x4b: {  	_ =	shalt  }
0x4c: {  	_ =	shalt  }
0x4d: {  	_ =	shalt  }
0x4e: {  	_ =	shalt  }
0x4f: {  	_ =	shalt  }
0x50: {  	_ =	shalt  }
0x51: {  	_ =	shalt  }
0x52: {  	_ =	shalt  }
0x53: {  	_ =	shalt  }
0x54: {  	_ =	shalt  }
0x55: {  	_ =	shalt  }
0x56: {  	_ =	shalt  }
0x57: {  	_ =	shalt  }
0x58: {  	_ =	shalt  }
0x59: {  	_ =	shalt  }
0x5a: {  	_ =	shalt  }
0x5b: {  	_ =	shalt  }
0x5c: {  	_ =	shalt  }
0x5d: {  	_ =	shalt  }
0x5e: {  	_ =	shalt  }
0x5f: {  	_ =	shalt  }
0x60: {  	_ =	shalt  }
0x61: {  	_ =	shalt  }
0x62: {  	_ =	shalt  }
0x63: {  	_ =	shalt  }
0x64: {  	_ =	shalt  }
0x65: {  	_ =	shalt  }
0x66: {  	_ =	shalt  }
0x67: {  	_ =	shalt  }
0x68: {  	_ =	shalt  }
0x69: {  	_ =	shalt  }
0x6a: {  	_ =	shalt  }
0x6b: {  	_ =	shalt  }
0x6c: {  	_ =	shalt  }
0x6d: {  	_ =	shalt  }
0x6e: {  	_ =	shalt  }
0x6f: {  	_ =	shalt  }
0x70: {  	_ =	shalt  }
0x71: {  	_ =	shalt  }
0x72: {  	_ =	shalt  }
0x73: {  	_ =	shalt  }
0x74: {  	_ =	shalt  }
0x75: {  	_ =	shalt  }
0x76: {  	_ =	shalt  }
0x77: {  	_ =	shalt  }
0x78: {  	_ =	shalt  }
0x79: {  	_ =	shalt  }
0x7a: {  	_ =	shalt  }
0x7b: {  	_ =	shalt  }
0x7c: {  	_ =	shalt  }
0x7d: {  	_ =	shalt  }
0x7e: {  	_ =	shalt  }
0x7f: {  	_ =	shalt  }
0x80: {  	_ =	shalt  }
0x81: {  	_ =	shalt  }
0x82: {  	_ =	shalt  }
0x83: {  	_ =	shalt  }
0x84: {  	_ =	shalt  }
0x85: {  	_ =	shalt  }
0x86: {  	_ =	shalt  }
0x87: {  	_ =	shalt  }
.Lfunc_end0:
.L_simem_size_0:
called_computation_lowered:
.L_overlay_start_0:
0x88: {  	s2 =	sld [smem:$0x3FD9]  }
0x89: {  	s3 =	sld [smem:$0x3FFE];
	_ =	sdelay $0x1  }
0x8a: {  	s1 =	srdreg.scid  }
0x8b: {  	s0 =	sand.u32 $0x1, s1  }
0x8c: {  	s17 =	sshll.u32 s0, $0xA;
	s2 =	sadd.s32 s3, s2  }
0x8d: {  	s2 =	sadd.s32 s2, s17  }
0x8e: {  	[smem:$0x3FBD] =	sst s2  }
0x8f: {  	_ = 	snop  }
0x90: {  	s2 =	sld [smem:$0x3FC0]  }
0x91: {  	s18 =	sld [smem:$0x3FD0];
	(tm) =	ssettm $0x1  }
0x92: {  	s4 =	sld [smem:$0x3FFB];
	_ =	sdelay $0x3  }
0x93: {  	_ =	strace s4  }
0x94: {  	s4 =	sld [smem:$0x3FFC];
	_ =	sdelay $0x3  }
0x95: {  	_ =	strace s4  }
0x96: {  	s4 =	sld [smem:$0x3FFD];
	_ =	sdelay $0x3  }
0x97: {  	_ =	strace s4  }
0x98: {  	_ =	strace $0x8FFFFFFF  }
0x99: {  	s19 =	sld [smem:$0x3FDB];
	_ =	sdelay $0x1  }
0x9a: {  	s5 =	simm.s32 $_scs_section_size  }
0x9b: {  	s6 =	simm.s32 $_size__tile_overlayer_lowered;
	s7 =	simm.s32 $_tile_overlayer_lowered  }
0x9c: {  	s22 =	simm.s32 $0x1BFF;
	s21 =	sshll.u32 s7, $0x1;
	s4 =	sadd.s32 s5, s19  }
0x9d: {  	s8 =	simm.s32 $0x0;
	s20 =	sshll.u32 s6, $0x1;
	s6 =	sadd.s32 s21, s4  }
0x9e: {  	[timem:s8], [sflag:s22] =	dma.local [hbm:s6], s20  }
0x9f: {  	_ =	swait.ge [sflag:s22], s20  }
0xa0: {  	s5 =	ssub.s32 $0x0, s20;
	[sflag:s22] =	ssyncset.done $0x0  }
0xa1: {  	[sflag:s22] =	ssyncadd.s32 s5;
	_ =	sdelay $0x1  }
0xa2: {  	s23 =	simm.s32 $0x1B8B  }
0xa3: {  	_ =	swait.ge [sflag:s23], $0x1  }
0xa4: {  	[sflag:s23] =	ssyncset.done $0x0  }
0xa5: {  	s25 =	simm.s32 $0x1B8E;
	s24 =	sld [smem:$0x3FFE];
	[sflag:s23] =	ssyncadd.s32 $0xFFFFFFFF  }
0xa6: {  	s26 =	simm.s32 $execute0_lowered;
	[smem:$0x3FD2] =	sst s25  }
0xa7: {  	s6 =	sshll.u32 s26, $0x1;
	_ =	strace $0x80000046;
	[dreg:$0x1] =	wrdreg $0xFFFFFFFF  }
0xa8: {  	s28 =	simm.s32 $_size_execute0_lowered;
	s4 =	sadd.s32 s4, s6;
	[dreg:$0x0] =	wrdreg $0x0  }
0xa9: {  	s6 =	sshll.u32 s28, $0x1;
	[dreg:$0x2] =	wrdreg s4  }
0xaa: {  	[dreg:$0x3] =	wrdreg s6  }
0xab: {  	[dreg:$0x4] =	wrdreg $0xC0  }
0xac: {  	_ =	task [dreg:s8], $0x5FFFF  }
0xad: {  	[dreg:$0x1] =	wrdreg $0xFFFFFFFF  }
0xae: {  	[dreg:$0x0] =	wrdreg $0x60  }
0xaf: {  	[dreg:$0x2] =	wrdreg s2  }
0xb0: {  	[dreg:$0x3] =	wrdreg s18  }
0xb1: {  	[dreg:$0x4] =	wrdreg s24  }
0xb2: {  	[dreg:$0x5] =	wrdreg $0x9  }
0xb3: {  	_ =	task.clear_ibuf [dreg:s8], $0x6FFFF;
	_ =	strace $0x90000046  }
0xb4: {  	s29 =	simm.s32 $0x9;
	_ =	strace $0x80000048  }
0xb5: {  	_ =	swait.ge [sflag:s29], $0x1  }
0xb6: {  	[sflag:s29] =	ssyncadd.s32 $0xFFFFFFFF  }
0xb7: {  	_ =	strace $0x90000048  }
0xb8: {  	_ =	sfence  }
0xb9: {  	s30 =	sld [smem:$0x0];
	_ =	sdelay $0x2  }
0xba: {  	s31 =	sshll.u32 s1, $0xD;
	s1 =	sshrl.u32 s1, $0x2  }
0xbb: {  	s3 =	sand.u32 $0x4000, s31;
	s1 =	sadd.s32 s1, s30  }
0xbc: {  	s0 =	sor.u32 s3, s0;
	s1 =	sshll.u32 s1, $0x11  }
0xbd: {  	s0 =	sor.u32 s1, s0  }
0xbe: {  	s0 =	sadd.s32 $0x8F2B, s0  }
0xbf: {  	[sflag:s0] =	ssyncadd.remote.s32 $0x1  }
0xc0: {  	_ =	sfence.sel $0xFFFF  }
0xc1: {  	[dreg:$0x0] =	wrdreg $0xFFFFFFFF;
	(pc) =	sbr.abs _section_cstart, $3  }
0xc2: {  	[dreg:$0x1] =	wrdreg $0xFFFFFFFF  }
0xc3: {  	_ =	task.clear_ibuf [dreg:s8], $0x2FFFF;
	_ =	strace $0x9FFFFFFF  }
0xc4: {  	(tm) =	ssettm $0x7FFFFFFF  }
0xc5: {  	_ =	shalt  }
tec
execute0_lowered:
.L_overlay_start_1:
0x0: {  	(tag) =	ssettag $0x1  }
0x1: {  	s1 =	rddreg [dreg:$0x0]  }
0x2: {  	s2 =	srdreg.scid;
	s4 =	rddreg [dreg:$0x1]  }
0x3: {  	s0 =	stileid.u32;
	s6 =	rddreg [dreg:$0x2]  }
0x4: {  	s3 =	simm.s32 $0x0;
	s5 =	sand.u32 $0x1, s2;
	s30 =	sshll.u32 s0, $0x1  }
0x5: {  	s9 =	simm.s32 $0x880;
	s10 =	simm.s32 $0x1080;
	s7 =	sor.u32 s5, s30  }
0x6: {  	s11 =	simm.s32 $0x1;
	s2 =	rddreg [dreg:$0x3];
	s8 =	smul.u32 $0x300, s7  }
0x7: {  	[smem:$0x7FF] =	sst s3;
	s5 =	ssub.s32 $0x2, s5;
	s7 =	smul.u32 $0x3, s7  }
0x8: {  	v2 =	vlaneseq.u32;
	_ =	strace $0x80000047;
	s31 =	sshrl.u32 s5, $0x1;
	s6 =	sadd.s32 s8, s6  }
0x9: {  	vm0 =	vmmov $0xffff;
	v1 =	vshrl.u32 v2, $0x3;
	s8 =	ssub.s32 s5, s31;
	s4 =	sadd.s32 s4, s7;
	s7 =	simm.s32 $0x2  }
0xa: {  	v0 =	vand.u32 $0x7, v2;
	v2 =	vor.u32 $0x8, v2;
	v1 =	vmul.u32 $0x8, v1;
	s5 =	sadd.s32 $0x3200, s6;
	s6 =	smax.u32 s8, $0x1;
	s8 =	simm.s32 $0x80  }
.LBB2_1:
0xb: {  	[tilespmem:s3], [sflag:$0x2] =	stream.linear.gather [hbm4b:s4+s3], $0x18, $0x38;
	[tilespmem:$0x1880] =	vst v63  }
0xc: {  	_ =	swait.ge [sflag:s7], $0x18  }
0xd: {  	[sflag:s7] =	ssyncset.done $0x0  }
0xe: {  	[sflag:s7] =	ssyncadd.s32 $0xFFFFFFE8  }
0xf: {  	v3 =	vld [tilespmem:$0x0];
	_ =	sdelay $0x4  }
0x10: {  	v4 =	vshll.u32 v3, $0x1  }
0x11: {  	v3 =	vand.u32 $0x7, v3;
	v4 =	vand.u32 $0xFFFFFFF0, v4  }
0x12: {  	v3 =	vor.u32 v3, v4  }
0x13: {  	v4 =	vperm.xlane v3, v0;
	_ =	sdelay $0x1  }
0x14: {  	v3 =	vperm.xlane v3, v2;
	v4 =	vadd.s32 v1, v4;
	_ =	sdelay $0x1  }
0x15: {  	v3 =	vadd.s32 v1, v3;
	_ =	sdelay $0x2  }
0x16: {  	[tilespmem:s8], [sflag:$0x1] =	stream.indirect_vreg.gather [hbm4b:s1+s3], $0x80, v4, vm0, $0xb8;
	[tilespmem:$0x1880] =	vst v63  }
0x17: {  	_ = 	snop  }
0x18: {  	[tilespmem:s9], [sflag:$0x1] =	stream.indirect_vreg.gather [hbm4b:s1+s3], $0x80, v3, vm0, $0xb8;
	[tilespmem:$0x1880] =	vst v63  }
0x19: {  	v3 =	vld.msk [tilespmem:$0x10], $0xff;
	_ =	sdelay $0x4  }
0x1a: {  	v63 =	vshll.u32 v3, $0x1  }
0x1b: {  	v3 =	vand.u32 $0x7, v3;
	v4 =	vand.u32 $0xFFFFFFF0, v63  }
0x1c: {  	v3 =	vor.u32 v3, v4  }
0x1d: {  	v3 =	vperm.xlane v3, v0;
	_ =	sdelay $0x1  }
0x1e: {  	v3 =	vadd.s32 v1, v3;
	_ =	sdelay $0x4  }
0x1f: {  	[tilespmem:s10], [sflag:$0x1] =	stream.indirect_vreg.gather [hbm4b:s1+s3], $0x80, v3, vm0, $0xb8;
	[tilespmem:$0x1880] =	vst v63  }
0x20: {  	_ =	swait.ge [sflag:s11], $0x1800  }
0x21: {  	p0 =	sne.s32 s6, $0x1;
	[sflag:s11] =	ssyncset.done $0x0  }
.Ltmp0:
0x22: {  	[sflag:s11] =	ssyncadd.s32 $0xFFFFE800;
	(pc) =	sbr.rel @p0 .LBB2_1-.Ltmp0, $4  }
0x23: {  	[hbm4b:s5+s3] =	stream.linear.scatter [tilespmem:s8], [sflag:$0x2], $0x1800, $0x38;
	[tilespmem:$0x1880] =	vst v63  }
0x24: {  	_ =	swait.ge [sflag:s7], $0x1800  }
0x25: {  	[sflag:s7] =	ssyncset.done $0x0  }
0x26: {  	s6 =	sadd.s32 $0xFFFFFFFF, s6;
	[sflag:s7] =	ssyncadd.s32 $0xFFFFE800  }
0x27: {  	_ =	sfence.sel $0x180000  }
0x28: {  	[bflag:$0x0] =	sbarrier.arrive $0xFFFF  }
0x29: {  	p0 =	sne.s32 s0, $0x0;
	_ =	strace $0x90000047  }
0x2a: {  	s0 =	sadd.s32 @!p0 $0x100000, s2;
	[bflag:$0x2] =	sbarrier.arrive $0xFFFF  }
0x2b: {  	[sflag:s0] =	ssyncadd.tile.s32 @!p0 $0x1;
	_ =	shalt  }
.Lfunc_end2:
_tile_overlayer_lowered:
.L_overlay_start_2:
0x2c: {  	(tag) =	ssettag $0x2  }
0x2d: {  	s0 =	rddreg [dreg:$0x0];
	s2 =	stileid.u32  }
0x2e: {  	s1 =	rddreg [dreg:$0x1];
	p0 =	sne.s32 s2, $0x0  }
0x2f: {  	s3 =	rddreg [dreg:$0x2];
	[bflag:$0x3] =	sbarrier.arrive $0xFFFF;
	s2 =	simm.s32 @!p0 $0x1C02  }
0x30: {  	[timem:s3], [sflag:s2] =	dma.local @!p0 [hbm:s0], s1  }
0x31: {  	s0 =	simm.s32 @!p0 $0x2  }
0x32: {  	_ =	swait.ge @!p0 [sflag:s0], s1  }
0x33: {  	s1 =	ssub.s32 @!p0 $0x0, s1;
	[sflag:s0] =	ssyncset.done @!p0 $0x0  }
0x34: {  	[sflag:s0] =	ssyncadd.s32 @!p0 s1  }
0x35: {  	[bflag:$0x3] =	sbarrier.arrive $0xFFFF  }
0x36: {  	_ =	shalt  }

// kernel: kernel.15.cloned.1.call-start
scs
__scs_entry_jumppad:
0x0: {  	(pc) =	sbr.rel $0x88, $3  }
0x1: {  	(tag) =	ssettag $0x0;
	lr =	simm.s32 $0x1  }
0x2: {  	[smem:$0x3F96] =	sst lr;
	_ =	strace $0xD0000000  }
0x3: {  	_ = 	snop  }
0x4: {  	_ = 	snop  }
0x5: {  	_ = 	snop  }
0x6: {  	_ = 	snop  }
0x7: {  	_ = 	snop  }
__scs_overlays_trampoline_lowered:
0x8: {  	[smem:$0x3FA5] =	sst s0  }
0x9: {  	[smem:$0x3FA6] =	sst s1  }
0xa: {  	[smem:$0x3FA7] =	sst s2  }
0xb: {  	[smem:$0x3FA8] =	sst s3  }
0xc: {  	[smem:$0x3FA9] =	sst s4  }
0xd: {  	[smem:$0x3FAA] =	sst s5  }
0xe: {  	[smem:$0x3FAB] =	sst s6  }
0xf: {  	[smem:$0x3FAC] =	sst s7  }
0x10: {  	[smem:$0x3FAD] =	sst s8  }
0x11: {  	[smem:$0x3FAE] =	sst s9;
	s0 =	simm.s32 @!p0 $0x0  }
0x12: {  	s1 =	sld [smem:$0x3F94];
	s0 =	simm.s32 @p0 $0x1  }
0x13: {  	[smem:$0x3FAF] =	sst s0;
	s0 =	simm.s32 @!p1 $0x0  }
0x14: {  	s2 =	sld [smem:$0x3F93];
	s0 =	simm.s32 @p1 $0x1  }
0x15: {  	[smem:$0x3FB0] =	sst s0;
	s0 =	simm.s32 @!p2 $0x0  }
0x16: {  	s3 =	sld [smem:$0x3FDB];
	s0 =	simm.s32 @p2 $0x1  }
0x17: {  	s4 =	simm.s32 $0x1BF5;
	[smem:$0x3FB2] =	sst s0  }
0x18: {  	s0 =	sld [smem:$0x3F95];
	_ =	swait.ge [sflag:s4], $0x0  }
0x19: {  	s7 =	sld [smem:$0x3F96]  }
0x1a: {  	s8 =	sadd.s32 $0xFFFFE003, lr  }
0x1b: {  	s9 =	sadd.s32 $0xFFFFFEF7, lr;
	s5 =	simm.s32 $0xFFFFFFFF;
	p2 =	slt.u32 s8, $0xFFFFF086  }
0x1c: {  	p1 =	slt.u32 s9, $0xF7A;
	s5 =	simm.s32 @!p2 $0x0  }
0x1d: {  	s5 =	simm.s32 @p1 $0x1;
	p0 =	seq.s32 s7, s2  }
0x1e: {  	s7 =	smul.u32 @!p0 $0xF7A, s2;
	p2 =	seq.s32 @!p0 s5, $0x0  }
0x1f: {  	s9 =	smul.u32 $0xF7A, s1;
	s8 =	simm.s32 @!p0 $0x1BF5;
	p2 =	por !p2, p0  }
0x20: {  	[sflag:s8] =	ssyncset.s32 @!p0 $0xFFFFF086;
	s6 =	sadd.s32 @!p0 s3, s7;
	s7 =	simm.s32 @!p0 $0x108  }
0x21: {  	s3 =	sadd.s32 s3, s9;
	s6 =	sadd.s32 @!p0 $0x88, s6;
	s7 =	simm.s32 @p2 $0x1082  }
0x22: {  	[simem:s7], [sflag:s8] =	dma.local @!p0 [hbm:s6], $0xF7A  }
0x23: {  	s9 =	sor.u32 $0xD0000000, s2;
	s6 =	simm.s32 $0x108;
	_ =	swait.ge @!p0 [sflag:s8], $0x0  }
0x24: {  	s3 =	sadd.s32 $0x88, s3;
	s6 =	simm.s32 @!p1 $0x1082;
	[sflag:s4] =	ssyncset.s32 $0xFFFFF086  }
0x25: {  	[simem:s6], [sflag:s4] =	dma.local [hbm:s3], $0xF7A  }
0x26: {  	[smem:$0x3F96] =	sst s1;
	(tag) =	ssettag s2;
	_ =	strace s9  }
0x27: {  	s1 =	sld [smem:$0x3FA6]  }
0x28: {  	s2 =	sld [smem:$0x3FA7]  }
0x29: {  	s4 =	sld [smem:$0x3FA9]  }
0x2a: {  	p0 =	seq.s32 s5, $0x0;
	s5 =	sld [smem:$0x3FAA]  }
0x2b: {  	s6 =	sld [smem:$0x3FAB]  }
0x2c: {  	s7 =	sld [smem:$0x3FAC]  }
0x2d: {  	s3 =	simm.s32 $0x108;
	s8 =	sld [smem:$0x3FAD]  }
0x2e: {  	s3 =	simm.s32 @!p0 $0x1082;
	s9 =	sld [smem:$0x3FAE]  }
0x2f: {  	lr =	sadd.s32 s0, s3;
	s0 =	sld [smem:$0x3FA5]  }
0x30: {  	s3 =	sld [smem:$0x3FA8]  }
0x31: {  	[smem:$0x3FB1] =	sst s10  }
0x32: {  	s10 =	sld [smem:$0x3FAF];
	_ =	sdelay $0x3  }
0x33: {  	p0 =	seq.s32 s10, $0x1;
	s10 =	sld [smem:$0x3FB1];
	_ =	sdelay $0x3  }
0x34: {  	[smem:$0x3FB1] =	sst s10  }
0x35: {  	s10 =	sld [smem:$0x3FB0];
	_ =	sdelay $0x3  }
0x36: {  	p1 =	seq.s32 s10, $0x1;
	s10 =	sld [smem:$0x3FB1];
	_ =	sdelay $0x3  }
0x37: {  	[smem:$0x3FB1] =	sst s10  }
0x38: {  	s10 =	sld [smem:$0x3FB2]  }
0x39: {  	_ = 	snop;
	(pc) =	sbr.ind lr, $3  }
0x3a: {  	_ = 	snop  }
0x3b: {  	_ = 	snop  }
0x3c: {  	p2 =	seq.s32 s10, $0x1;
	s10 =	sld [smem:$0x3FB1]  }
0x3d: {  	_ =	shalt  }
0x3e: {  	_ =	shalt  }
0x3f: {  	_ =	shalt  }
0x40: {  	_ =	shalt  }
0x41: {  	_ =	shalt  }
0x42: {  	_ =	shalt  }
0x43: {  	_ =	shalt  }
0x44: {  	_ =	shalt  }
0x45: {  	_ =	shalt  }
0x46: {  	_ =	shalt  }
0x47: {  	_ =	shalt  }
0x48: {  	_ =	shalt  }
0x49: {  	_ =	shalt  }
0x4a: {  	_ =	shalt  }
0x4b: {  	_ =	shalt  }
0x4c: {  	_ =	shalt  }
0x4d: {  	_ =	shalt  }
0x4e: {  	_ =	shalt  }
0x4f: {  	_ =	shalt  }
0x50: {  	_ =	shalt  }
0x51: {  	_ =	shalt  }
0x52: {  	_ =	shalt  }
0x53: {  	_ =	shalt  }
0x54: {  	_ =	shalt  }
0x55: {  	_ =	shalt  }
0x56: {  	_ =	shalt  }
0x57: {  	_ =	shalt  }
0x58: {  	_ =	shalt  }
0x59: {  	_ =	shalt  }
0x5a: {  	_ =	shalt  }
0x5b: {  	_ =	shalt  }
0x5c: {  	_ =	shalt  }
0x5d: {  	_ =	shalt  }
0x5e: {  	_ =	shalt  }
0x5f: {  	_ =	shalt  }
0x60: {  	_ =	shalt  }
0x61: {  	_ =	shalt  }
0x62: {  	_ =	shalt  }
0x63: {  	_ =	shalt  }
0x64: {  	_ =	shalt  }
0x65: {  	_ =	shalt  }
0x66: {  	_ =	shalt  }
0x67: {  	_ =	shalt  }
0x68: {  	_ =	shalt  }
0x69: {  	_ =	shalt  }
0x6a: {  	_ =	shalt  }
0x6b: {  	_ =	shalt  }
0x6c: {  	_ =	shalt  }
0x6d: {  	_ =	shalt  }
0x6e: {  	_ =	shalt  }
0x6f: {  	_ =	shalt  }
0x70: {  	_ =	shalt  }
0x71: {  	_ =	shalt  }
0x72: {  	_ =	shalt  }
0x73: {  	_ =	shalt  }
0x74: {  	_ =	shalt  }
0x75: {  	_ =	shalt  }
0x76: {  	_ =	shalt  }
0x77: {  	_ =	shalt  }
0x78: {  	_ =	shalt  }
0x79: {  	_ =	shalt  }
0x7a: {  	_ =	shalt  }
0x7b: {  	_ =	shalt  }
0x7c: {  	_ =	shalt  }
0x7d: {  	_ =	shalt  }
0x7e: {  	_ =	shalt  }
0x7f: {  	_ =	shalt  }
0x80: {  	_ =	shalt  }
0x81: {  	_ =	shalt  }
0x82: {  	_ =	shalt  }
0x83: {  	_ =	shalt  }
0x84: {  	_ =	shalt  }
0x85: {  	_ =	shalt  }
0x86: {  	_ =	shalt  }
0x87: {  	_ =	shalt  }
.Lfunc_end0:
.L_simem_size_0:
called_computation.1_lowered:
.L_overlay_start_0:
0x88: {  	s2 =	sld [smem:$0x3FD9]  }
0x89: {  	s3 =	sld [smem:$0x3FFE];
	_ =	sdelay $0x1  }
0x8a: {  	s1 =	srdreg.scid  }
0x8b: {  	s0 =	sand.u32 $0x1, s1  }
0x8c: {  	s16 =	sshll.u32 s0, $0xA;
	s2 =	sadd.s32 s3, s2  }
0x8d: {  	s2 =	sadd.s32 s2, s16  }
0x8e: {  	[smem:$0x3FBD] =	sst s2  }
0x8f: {  	_ = 	snop  }
0x90: {  	(tm) =	ssettm $0x1  }
0x91: {  	s17 =	sld [smem:$0x3FFB];
	_ =	sdelay $0x3  }
0x92: {  	_ =	strace s17  }
0x93: {  	s2 =	sld [smem:$0x3FFC];
	_ =	sdelay $0x3  }
0x94: {  	_ =	strace s2  }
0x95: {  	s2 =	sld [smem:$0x3FFD];
	_ =	sdelay $0x3  }
0x96: {  	_ =	strace s2  }
0x97: {  	_ =	strace $0x8FFFFFFF  }
0x98: {  	s18 =	sld [smem:$0x3FDB];
	_ =	sdelay $0x1  }
0x99: {  	s19 =	simm.s32 $_scs_section_size  }
0x9a: {  	s4 =	simm.s32 $_size__tile_overlayer_lowered;
	s5 =	simm.s32 $_tile_overlayer_lowered  }
0x9b: {  	s22 =	simm.s32 $0x1BFF;
	s21 =	sshll.u32 s5, $0x1;
	s2 =	sadd.s32 s19, s18  }
0x9c: {  	s6 =	simm.s32 $0x0;
	s20 =	sshll.u32 s4, $0x1;
	s4 =	sadd.s32 s21, s2  }
0x9d: {  	[timem:s6], [sflag:s22] =	dma.local [hbm:s4], s20  }
0x9e: {  	_ =	swait.ge [sflag:s22], s20  }
0x9f: {  	s3 =	ssub.s32 $0x0, s20;
	[sflag:s22] =	ssyncset.done $0x0  }
0xa0: {  	[sflag:s22] =	ssyncadd.s32 s3;
	_ =	sdelay $0x1  }
0xa1: {  	s23 =	simm.s32 $0x1B8B  }
0xa2: {  	_ =	swait.ge [sflag:s23], $0x1  }
0xa3: {  	[sflag:s23] =	ssyncset.done $0x0  }
0xa4: {  	s25 =	simm.s32 $0x1B8E;
	s24 =	sld [smem:$0x3FFE];
	[sflag:s23] =	ssyncadd.s32 $0xFFFFFFFF  }
0xa5: {  	s26 =	simm.s32 $execute0_lowered;
	[smem:$0x3FD2] =	sst s25  }
0xa6: {  	s4 =	sshll.u32 s26, $0x1;
	_ =	strace $0x80000049;
	[dreg:$0x1] =	wrdreg $0xFFFFFFFF  }
0xa7: {  	s28 =	simm.s32 $_size_execute0_lowered;
	s2 =	sadd.s32 s2, s4;
	[dreg:$0x0] =	wrdreg $0x0  }
0xa8: {  	s4 =	sshll.u32 s28, $0x1;
	[dreg:$0x2] =	wrdreg s2  }
0xa9: {  	[dreg:$0x3] =	wrdreg s4  }
0xaa: {  	[dreg:$0x4] =	wrdreg $0xC0  }
0xab: {  	_ =	task [dreg:s6], $0x5FFFF  }
0xac: {  	[dreg:$0x1] =	wrdreg $0xFFFFFFFF  }
0xad: {  	[dreg:$0x0] =	wrdreg $0x60  }
0xae: {  	[dreg:$0x2] =	wrdreg s24  }
0xaf: {  	[dreg:$0x3] =	wrdreg $0x9  }
0xb0: {  	_ =	task.clear_ibuf [dreg:s6], $0x4FFFF;
	_ =	strace $0x90000049  }
0xb1: {  	s29 =	simm.s32 $0x9;
	_ =	strace $0x8000004B  }
0xb2: {  	_ =	swait.ge [sflag:s29], $0x1  }
0xb3: {  	[sflag:s29] =	ssyncadd.s32 $0xFFFFFFFF  }
0xb4: {  	_ =	strace $0x9000004B  }
0xb5: {  	_ =	sfence  }
0xb6: {  	s30 =	sld [smem:$0x0];
	_ =	sdelay $0x2  }
0xb7: {  	s31 =	sshll.u32 s1, $0xD;
	s1 =	sshrl.u32 s1, $0x2  }
0xb8: {  	s3 =	sand.u32 $0x4000, s31;
	s1 =	sadd.s32 s1, s30  }
0xb9: {  	s0 =	sor.u32 s3, s0;
	s1 =	sshll.u32 s1, $0x11  }
0xba: {  	s0 =	sor.u32 s1, s0  }
0xbb: {  	s0 =	sadd.s32 $0x8F2B, s0  }
0xbc: {  	[sflag:s0] =	ssyncadd.remote.s32 $0x1  }
0xbd: {  	_ =	sfence.sel $0xFFFF  }
0xbe: {  	[dreg:$0x0] =	wrdreg $0xFFFFFFFF;
	(pc) =	sbr.abs _section_cstart, $3  }
0xbf: {  	[dreg:$0x1] =	wrdreg $0xFFFFFFFF  }
0xc0: {  	_ =	task.clear_ibuf [dreg:s6], $0x2FFFF;
	_ =	strace $0x9FFFFFFF  }
0xc1: {  	(tm) =	ssettm $0x7FFFFFFF  }
tec
execute0_lowered:
.L_overlay_start_1:
0x0: {  	(tag) =	ssettag $0x1  }
0x1: {  	s1 =	srdreg.scid;
	s0 =	stileid.u32  }
0x2: {  	s6 =	sand.u32 $0x1, s1;
	s30 =	sshll.u32 s0, $0x1  }
0x3: {  	s9 =	rddreg [dreg:$0x0];
	s7 =	sor.u32 s6, s30  }
0x4: {  	s2 =	simm.s32 $0x0;
	s1 =	rddreg [dreg:$0x1];
	s3 =	smul.u32 $0x6, s7  }
0x5: {  	s8 =	simm.s32 $0x1;
	[smem:$0x7FF] =	sst s2;
	s5 =	sadd.s32 $0x189200, s9  }
0x6: {  	_ =	strace $0x8000004A;
	s11 =	ssub.s32 $0x2, s6;
	s3 =	sadd.s32 s3, s9  }
0x7: {  	s6 =	simm.s32 $0x30;
	s4 =	sadd.s32 $0x3200, s3;
	s3 =	simm.s32 $0x2  }
0x8: {  	[tilespmem:s2], [sflag:$0x2] =	stream.linear.gather [hbm4b:s4+s2], $0x30, $0x38;
	[tilespmem:$0x1880] =	vst v63  }
0x9: {  	s10 =	smul.u32 $0x300, s7;
	s12 =	sshrl.u32 s11, $0x1;
	_ =	swait.ge [sflag:s3], $0x30  }
0xa: {  	s7 =	simm.s32 $0x80;
	s31 =	ssub.s32 s11, s12;
	[sflag:s3] =	ssyncset.done $0x0  }
0xb: {  	s9 =	sadd.s32 s10, s9;
	s10 =	smax.u32 s31, $0x1;
	[sflag:s3] =	ssyncadd.s32 $0xFFFFFFD0  }
0xc: {  	[tilespmem:s7], [sflag:$0x1] =	stream.indirect.gather [hbm4b:s5+s6], $0x80, s2, s6, $0xb8;
	[tilespmem:$0x1880] =	vst v63  }
0xd: {  	p0 =	sne.s32 s10, $0x1;
	_ =	swait.ge [sflag:s8], $0x1800  }
.Ltmp0:
0xe: {  	[sflag:s8] =	ssyncset.done $0x0;
	(pc) =	sbr.rel @!p0 .LBB2_2-.Ltmp0, $4  }
0xf: {  	s9 =	sadd.s32 $0x3400, s9;
	[sflag:s8] =	ssyncadd.s32 $0xFFFFE800  }
0x10: {  	[hbm4b:s9+s2] =	stream.linear.scatter [tilespmem:s7], [sflag:$0x2], $0x1800, $0x38;
	[tilespmem:$0x1880] =	vst v63  }
0x11: {  	_ =	swait.ge [sflag:s3], $0x1800  }
0x12: {  	s10 =	sadd.s32 $0xFFFFFFFF, s10;
	[sflag:s3] =	ssyncset.done $0x0  }
.LBB2_1:
0x13: {  	p0 =	sne.s32 s10, $0x1;
	s10 =	sadd.s32 $0xFFFFFFFF, s10;
	[sflag:s3] =	ssyncadd.s32 $0xFFFFE800  }
0x14: {  	[tilespmem:s2], [sflag:$0x2] =	stream.linear.gather [hbm4b:s4+s2], $0x30, $0x38;
	[tilespmem:$0x1880] =	vst v63  }
0x15: {  	_ =	swait.ge [sflag:s3], $0x30  }
0x16: {  	[sflag:s3] =	ssyncset.done $0x0  }
0x17: {  	[sflag:s3] =	ssyncadd.s32 $0xFFFFFFD0  }
0x18: {  	[tilespmem:s7], [sflag:$0x1] =	stream.indirect.gather [hbm4b:s5+s6], $0x80, s2, s6, $0xb8;
	[tilespmem:$0x1880] =	vst v63  }
0x19: {  	_ =	swait.ge [sflag:s8], $0x1800  }
.Ltmp1:
0x1a: {  	[sflag:s8] =	ssyncset.done $0x0;
	(pc) =	sbr.rel @p0 .LBB2_1-.Ltmp1, $4  }
0x1b: {  	[sflag:s8] =	ssyncadd.s32 $0xFFFFE800  }
0x1c: {  	[hbm4b:s9+s2] =	stream.linear.scatter [tilespmem:s7], [sflag:$0x2], $0x1800, $0x38;
	[tilespmem:$0x1880] =	vst v63  }
0x1d: {  	_ =	swait.ge [sflag:s3], $0x1800  }
0x1e: {  	[sflag:s3] =	ssyncset.done $0x0  }
.LBB2_2:
0x1f: {  	[sflag:s3] =	ssyncadd.s32 $0xFFFFE800  }
0x20: {  	_ =	sfence.sel $0x180000  }
0x21: {  	[bflag:$0x0] =	sbarrier.arrive $0xFFFF  }
0x22: {  	p0 =	sne.s32 s0, $0x0;
	_ =	strace $0x9000004A  }
0x23: {  	s0 =	sadd.s32 @!p0 $0x100000, s1;
	[bflag:$0x2] =	sbarrier.arrive $0xFFFF  }
0x24: {  	[sflag:s0] =	ssyncadd.tile.s32 @!p0 $0x1;
	_ =	shalt  }
.Lfunc_end2:
_tile_overlayer_lowered:
.L_overlay_start_2:
0x25: {  	(tag) =	ssettag $0x2  }
0x26: {  	s0 =	rddreg [dreg:$0x0];
	s2 =	stileid.u32  }
0x27: {  	s1 =	rddreg [dreg:$0x1];
	p0 =	sne.s32 s2, $0x0  }
0x28: {  	s3 =	rddreg [dreg:$0x2];
	[bflag:$0x3] =	sbarrier.arrive $0xFFFF;
	s2 =	simm.s32 @!p0 $0x1C02  }
0x29: {  	[timem:s3], [sflag:s2] =	dma.local @!p0 [hbm:s0], s1  }
0x2a: {  	s0 =	simm.s32 @!p0 $0x2  }
0x2b: {  	_ =	swait.ge @!p0 [sflag:s0], s1  }
0x2c: {  	s1 =	ssub.s32 @!p0 $0x0, s1;
	[sflag:s0] =	ssyncset.done @!p0 $0x0  }
0x2d: {  	[sflag:s0] =	ssyncadd.s32 @!p0 s1  }
0x2e: {  	[bflag:$0x3] =	sbarrier.arrive $0xFFFF  }
0x2f: {  	_ =	shalt  }

</sc_bundles>
